<compile_context>
chip_gen: v7x
topology: tpu7x:2x2x1
jax: 0.10.2.dev20260603
libtpu: 0.0.44.dev20260713+nightly
codegen_flags: <defaults>
</compile_context>

<pallas_src>
import functools

import jax
import jax.numpy as jnp
from jax import lax
from jax.experimental import pallas as pl
from jax.experimental.pallas import tpu as pltpu
from jax.experimental.pallas import tpu_sc as plsc

S = 819200
D = 64
NC = 2
NS = 16
NW = NC * NS
B_PER_W = S // NW
CHUNK = 256
N_CHUNKS = B_PER_W // CHUNK
NBUF = 4
assert N_CHUNKS % NBUF == 0

_mesh = plsc.VectorSubcoreMesh(core_axis_name="c", subcore_axis_name="s")


@functools.partial(
    pl.kernel,
    out_type=jax.ShapeDtypeStruct((S, D), jnp.float32),
    mesh=_mesh,
    scratch_types=[
        pltpu.VMEM((NBUF, CHUNK), jnp.int32),
        pltpu.VMEM((NBUF, CHUNK, D), jnp.float32),
        pltpu.SemaphoreType.DMA((NBUF,)),
        pltpu.SemaphoreType.DMA((NBUF,)),
        pltpu.SemaphoreType.DMA((NBUF,)),
    ],
    compiler_params=pltpu.CompilerParams(use_tc_tiling_on_sc=False),
)
def _gather_kernel(table_hbm, idx_hbm, out_hbm, idx_v, rows_v,
                   idx_sem, g_sem, o_sem):
    wid = lax.axis_index("s") * NC + lax.axis_index("c")
    base = wid * B_PER_W

    def start_idx(i, b):
        pltpu.async_copy(idx_hbm.at[pl.ds(base + i * CHUNK, CHUNK)],
                         idx_v.at[b], idx_sem.at[b])

    def wait_idx(b):
        pltpu.make_async_copy(idx_hbm.at[pl.ds(base, CHUNK)],
                              idx_v.at[b], idx_sem.at[b]).wait()

    def wait_out(b):
        pltpu.make_async_copy(rows_v.at[b],
                              out_hbm.at[pl.ds(base, CHUNK)], o_sem.at[b]).wait()

    for b in range(NBUF):
        start_idx(b, b)

    @pl.loop(0, N_CHUNKS, step=NBUF)
    def _group(g):
        for b in range(NBUF):
            wait_idx(b)

            @pl.when(g > 0)
            def _():
                wait_out(b)

            pltpu.async_copy(table_hbm.at[idx_v.at[b]], rows_v.at[b],
                             g_sem.at[b])
        for b in range(NBUF):
            i = g + b
            pltpu.make_async_copy(table_hbm.at[idx_v.at[b]], rows_v.at[b],
                                  g_sem.at[b]).wait()

            @pl.when(i + NBUF < N_CHUNKS)
            def _():
                start_idx(i + NBUF, b)

            pltpu.async_copy(rows_v.at[b],
                             out_hbm.at[pl.ds(base + i * CHUNK, CHUNK)],
                             o_sem.at[b])

    for b in range(NBUF):
        wait_out(b)


def kernel(flat_source, flat_idx):
    return _gather_kernel(flat_source, flat_idx.astype(jnp.int32))

# --- scband reference (transcript-rebuilt; emitter-appended) ---
"""Pipeline reference for scband-op8-flat-index-12678743457877 (READ-ONLY COPY).

The authoritative reference and input builder live on the scoring server;
editing this copy changes nothing except your own understanding.
"""

import jax, jax.numpy as jnp
import numpy as np

S = 819200
D = 64
VOCAB = 1000000

def setup_inputs(seed: int = 0) -> dict:
    key = jax.random.key(seed)
    k1, k2 = jax.random.split(key)
    flat_source = jax.random.normal(k1, (VOCAB, D), dtype=jnp.float32)
    flat_idx = jax.random.randint(k2, (S,), 0, VOCAB, dtype=jnp.int64 if jax.config.read('jax_enable_x64') else jnp.int32)
    return {"flat_source": flat_source, "flat_idx": flat_idx}

def reference(flat_source, flat_idx):
    gathered = jnp.take(flat_source, flat_idx.reshape(-1), axis=0)
    return gathered.reshape(S, D)

if __name__ == "__main__":
    import jax
    _d = setup_inputs()
    print(jax.jit(kernel)(*tuple(_d.values())))

</pallas_src>

<mosaic_0001>
#map = affine_map<(d0, d1) -> (0, 0)>
#map1 = affine_map<(d0, d1) -> (0)>
module attributes {stable_mosaic.version = 14 : i64} {
  func.func @_gather_kernel(%arg0: i32, %arg1: i32, %arg2: memref<1000000x64xf32, #tpu.memory_space<hbm>>, %arg3: memref<819200xi32, #tpu.memory_space<hbm>>, %arg4: memref<819200x64xf32, #tpu.memory_space<hbm>>, %arg5: memref<4x256xi32, #tpu.memory_space<vmem>>, %arg6: memref<4x256x64xf32, #tpu.memory_space<vmem>>, %arg7: memref<4x!tpu.dma_semaphore, #tpu.memory_space<semaphore_mem>>, %arg8: memref<4x!tpu.dma_semaphore, #tpu.memory_space<semaphore_mem>>, %arg9: memref<4x!tpu.dma_semaphore, #tpu.memory_space<semaphore_mem>>) attributes {dimension_semantics = [#tpu.dimension_semantics<core_parallel>, #tpu.dimension_semantics<subcore_parallel>], iteration_bounds = array<i64: 2, 16>, scalar_prefetch = 0 : i64, scratch_operands = 5 : i64, tpu.core_type = #tpu.core_type<sc_vector_subcore>, window_params = [{transform_indices = #map}, {transform_indices = #map1}, {transform_indices = #map}]} {
    %mul3A = arith.constant 2 : i32
    %mul3A_0 = arith.muli %arg1, %mul3A : i32
    %add3A = arith.addi %mul3A_0, %arg0 : i32
    %mul3A_1 = arith.constant 25600 : i32
    %mul3A_2 = arith.muli %add3A, %mul3A_1 : i32
    %add3A_3 = arith.constant 0 : i32
    %add3A_4 = arith.addi %mul3A_2, %add3A_3 : i32
    %dma_start3A = arith.constant 0 : i32
    %dma_start3A_5 = arith.constant 0 : i32
    %dma_start3A_6 = arith.constant 0 : i32
    %dma_start3A_7 = tpu.memref_slice %arg5[%dma_start3A, %dma_start3A_6] : memref<4x256xi32, #tpu.memory_space<vmem>> -> memref<1x256xi32, #tpu.memory_space<vmem>>
    %dma_start3A_8 = tpu.memref_squeeze %dma_start3A_7 : memref<1x256xi32, #tpu.memory_space<vmem>> -> memref<256xi32, #tpu.memory_space<vmem>>
    %dma_start3A_9 = tpu.memref_slice %arg3[%add3A_4] : memref<819200xi32, #tpu.memory_space<hbm>> -> memref<256xi32, #tpu.memory_space<hbm>>
    %dma_start3A_10 = tpu.memref_slice %arg7[%dma_start3A_5] : memref<4x!tpu.dma_semaphore, #tpu.memory_space<semaphore_mem>> -> memref<1x!tpu.dma_semaphore, #tpu.memory_space<semaphore_mem>>
    %dma_start3A_11 = tpu.memref_squeeze %dma_start3A_10 : memref<1x!tpu.dma_semaphore, #tpu.memory_space<semaphore_mem>> -> memref<!tpu.dma_semaphore, #tpu.memory_space<semaphore_mem>>
    %dma_start3A_12 = arith.constant 0 : i32
    %dma_start3A_13 = tpu.memref_slice %arg5[%dma_start3A, %dma_start3A_12] : memref<4x256xi32, #tpu.memory_space<vmem>> -> memref<1x256xi32, #tpu.memory_space<vmem>>
    %dma_start3A_14 = tpu.memref_squeeze %dma_start3A_13 : memref<1x256xi32, #tpu.memory_space<vmem>> -> memref<256xi32, #tpu.memory_space<vmem>>
    %dma_start3A_15 = tpu.memref_slice %arg3[%add3A_4] : memref<819200xi32, #tpu.memory_space<hbm>> -> memref<256xi32, #tpu.memory_space<hbm>>
    tpu.enqueue_dma source(%dma_start3A_15 : memref<256xi32, #tpu.memory_space<hbm>>) target(%dma_start3A_14 : memref<256xi32, #tpu.memory_space<vmem>>) target_semaphore(%dma_start3A_11 : memref<!tpu.dma_semaphore, #tpu.memory_space<semaphore_mem>>)
    %add3A_16 = arith.constant 256 : i32
    %add3A_17 = arith.addi %mul3A_2, %add3A_16 : i32
    %dma_start3A_18 = arith.constant 1 : i32
    %dma_start3A_19 = arith.constant 1 : i32
    %dma_start3A_20 = arith.constant 0 : i32
    %dma_start3A_21 = tpu.memref_slice %arg5[%dma_start3A_18, %dma_start3A_20] : memref<4x256xi32, #tpu.memory_space<vmem>> -> memref<1x256xi32, #tpu.memory_space<vmem>>
    %dma_start3A_22 = tpu.memref_squeeze %dma_start3A_21 : memref<1x256xi32, #tpu.memory_space<vmem>> -> memref<256xi32, #tpu.memory_space<vmem>>
    %dma_start3A_23 = tpu.memref_slice %arg3[%add3A_17] : memref<819200xi32, #tpu.memory_space<hbm>> -> memref<256xi32, #tpu.memory_space<hbm>>
    %dma_start3A_24 = tpu.memref_slice %arg7[%dma_start3A_19] : memref<4x!tpu.dma_semaphore, #tpu.memory_space<semaphore_mem>> -> memref<1x!tpu.dma_semaphore, #tpu.memory_space<semaphore_mem>>
    %dma_start3A_25 = tpu.memref_squeeze %dma_start3A_24 : memref<1x!tpu.dma_semaphore, #tpu.memory_space<semaphore_mem>> -> memref<!tpu.dma_semaphore, #tpu.memory_space<semaphore_mem>>
    %dma_start3A_26 = arith.constant 0 : i32
    %dma_start3A_27 = tpu.memref_slice %arg5[%dma_start3A_18, %dma_start3A_26] : memref<4x256xi32, #tpu.memory_space<vmem>> -> memref<1x256xi32, #tpu.memory_space<vmem>>
    %dma_start3A_28 = tpu.memref_squeeze %dma_start3A_27 : memref<1x256xi32, #tpu.memory_space<vmem>> -> memref<256xi32, #tpu.memory_space<vmem>>
    %dma_start3A_29 = tpu.memref_slice %arg3[%add3A_17] : memref<819200xi32, #tpu.memory_space<hbm>> -> memref<256xi32, #tpu.memory_space<hbm>>
    tpu.enqueue_dma source(%dma_start3A_29 : memref<256xi32, #tpu.memory_space<hbm>>) target(%dma_start3A_28 : memref<256xi32, #tpu.memory_space<vmem>>) target_semaphore(%dma_start3A_25 : memref<!tpu.dma_semaphore, #tpu.memory_space<semaphore_mem>>)
    %add3A_30 = arith.constant 512 : i32
    %add3A_31 = arith.addi %mul3A_2, %add3A_30 : i32
    %dma_start3A_32 = arith.constant 2 : i32
    %dma_start3A_33 = arith.constant 2 : i32
    %dma_start3A_34 = arith.constant 0 : i32
    %dma_start3A_35 = tpu.memref_slice %arg5[%dma_start3A_32, %dma_start3A_34] : memref<4x256xi32, #tpu.memory_space<vmem>> -> memref<1x256xi32, #tpu.memory_space<vmem>>
    %dma_start3A_36 = tpu.memref_squeeze %dma_start3A_35 : memref<1x256xi32, #tpu.memory_space<vmem>> -> memref<256xi32, #tpu.memory_space<vmem>>
    %dma_start3A_37 = tpu.memref_slice %arg3[%add3A_31] : memref<819200xi32, #tpu.memory_space<hbm>> -> memref<256xi32, #tpu.memory_space<hbm>>
    %dma_start3A_38 = tpu.memref_slice %arg7[%dma_start3A_33] : memref<4x!tpu.dma_semaphore, #tpu.memory_space<semaphore_mem>> -> memref<1x!tpu.dma_semaphore, #tpu.memory_space<semaphore_mem>>
    %dma_start3A_39 = tpu.memref_squeeze %dma_start3A_38 : memref<1x!tpu.dma_semaphore, #tpu.memory_space<semaphore_mem>> -> memref<!tpu.dma_semaphore, #tpu.memory_space<semaphore_mem>>
    %dma_start3A_40 = arith.constant 0 : i32
    %dma_start3A_41 = tpu.memref_slice %arg5[%dma_start3A_32, %dma_start3A_40] : memref<4x256xi32, #tpu.memory_space<vmem>> -> memref<1x256xi32, #tpu.memory_space<vmem>>
    %dma_start3A_42 = tpu.memref_squeeze %dma_start3A_41 : memref<1x256xi32, #tpu.memory_space<vmem>> -> memref<256xi32, #tpu.memory_space<vmem>>
    %dma_start3A_43 = tpu.memref_slice %arg3[%add3A_31] : memref<819200xi32, #tpu.memory_space<hbm>> -> memref<256xi32, #tpu.memory_space<hbm>>
    tpu.enqueue_dma source(%dma_start3A_43 : memref<256xi32, #tpu.memory_space<hbm>>) target(%dma_start3A_42 : memref<256xi32, #tpu.memory_space<vmem>>) target_semaphore(%dma_start3A_39 : memref<!tpu.dma_semaphore, #tpu.memory_space<semaphore_mem>>)
    %add3A_44 = arith.constant 768 : i32
    %add3A_45 = arith.addi %mul3A_2, %add3A_44 : i32
    %dma_start3A_46 = arith.constant 3 : i32
    %dma_start3A_47 = arith.constant 3 : i32
    %dma_start3A_48 = arith.constant 0 : i32
    %dma_start3A_49 = tpu.memref_slice %arg5[%dma_start3A_46, %dma_start3A_48] : memref<4x256xi32, #tpu.memory_space<vmem>> -> memref<1x256xi32, #tpu.memory_space<vmem>>
    %dma_start3A_50 = tpu.memref_squeeze %dma_start3A_49 : memref<1x256xi32, #tpu.memory_space<vmem>> -> memref<256xi32, #tpu.memory_space<vmem>>
    %dma_start3A_51 = tpu.memref_slice %arg3[%add3A_45] : memref<819200xi32, #tpu.memory_space<hbm>> -> memref<256xi32, #tpu.memory_space<hbm>>
    %dma_start3A_52 = tpu.memref_slice %arg7[%dma_start3A_47] : memref<4x!tpu.dma_semaphore, #tpu.memory_space<semaphore_mem>> -> memref<1x!tpu.dma_semaphore, #tpu.memory_space<semaphore_mem>>
    %dma_start3A_53 = tpu.memref_squeeze %dma_start3A_52 : memref<1x!tpu.dma_semaphore, #tpu.memory_space<semaphore_mem>> -> memref<!tpu.dma_semaphore, #tpu.memory_space<semaphore_mem>>
    %dma_start3A_54 = arith.constant 0 : i32
    %dma_start3A_55 = tpu.memref_slice %arg5[%dma_start3A_46, %dma_start3A_54] : memref<4x256xi32, #tpu.memory_space<vmem>> -> memref<1x256xi32, #tpu.memory_space<vmem>>
    %dma_start3A_56 = tpu.memref_squeeze %dma_start3A_55 : memref<1x256xi32, #tpu.memory_space<vmem>> -> memref<256xi32, #tpu.memory_space<vmem>>
    %dma_start3A_57 = tpu.memref_slice %arg3[%add3A_45] : memref<819200xi32, #tpu.memory_space<hbm>> -> memref<256xi32, #tpu.memory_space<hbm>>
    tpu.enqueue_dma source(%dma_start3A_57 : memref<256xi32, #tpu.memory_space<hbm>>) target(%dma_start3A_56 : memref<256xi32, #tpu.memory_space<vmem>>) target_semaphore(%dma_start3A_53 : memref<!tpu.dma_semaphore, #tpu.memory_space<semaphore_mem>>)
    %scan3A = arith.constant 0 : i32
    %scan3A_58 = arith.constant 25 : i32
    %scan3A_59 = arith.addi %scan3A, %scan3A_58 : i32
    %scan3A_60 = arith.constant 1 : i32
    scf.for %scan3A_125 = %scan3A to %scan3A_59 step %scan3A_60  : i32 {
      %mul3A_126 = arith.constant 4 : i32
      %mul3A_127 = arith.muli %scan3A_125, %mul3A_126 : i32
      %add3A_128 = arith.constant 0 : i32
      %add3A_129 = arith.addi %add3A_128, %mul3A_127 : i32
      %dma_wait3A_130 = arith.constant 0 : i32
      %dma_wait3A_131 = arith.constant 0 : i32
      %dma_wait3A_132 = arith.constant 0 : i32
      %dma_wait3A_133 = tpu.memref_slice %arg5[%dma_wait3A_130, %dma_wait3A_132] : memref<4x256xi32, #tpu.memory_space<vmem>> -> memref<1x256xi32, #tpu.memory_space<vmem>>
      %dma_wait3A_134 = tpu.memref_squeeze %dma_wait3A_133 : memref<1x256xi32, #tpu.memory_space<vmem>> -> memref<256xi32, #tpu.memory_space<vmem>>
      %dma_wait3A_135 = tpu.memref_slice %arg3[%mul3A_2] : memref<819200xi32, #tpu.memory_space<hbm>> -> memref<256xi32, #tpu.memory_space<hbm>>
      %dma_wait3A_136 = tpu.memref_slice %arg7[%dma_wait3A_131] : memref<4x!tpu.dma_semaphore, #tpu.memory_space<semaphore_mem>> -> memref<1x!tpu.dma_semaphore, #tpu.memory_space<semaphore_mem>>
      %dma_wait3A_137 = tpu.memref_squeeze %dma_wait3A_136 : memref<1x!tpu.dma_semaphore, #tpu.memory_space<semaphore_mem>> -> memref<!tpu.dma_semaphore, #tpu.memory_space<semaphore_mem>>
      %dma_wait3A_138 = arith.constant 0 : i32
      %dma_wait3A_139 = tpu.memref_slice %arg5[%dma_wait3A_130, %dma_wait3A_138] : memref<4x256xi32, #tpu.memory_space<vmem>> -> memref<1x256xi32, #tpu.memory_space<vmem>>
      %dma_wait3A_140 = tpu.memref_squeeze %dma_wait3A_139 : memref<1x256xi32, #tpu.memory_space<vmem>> -> memref<256xi32, #tpu.memory_space<vmem>>
      %dma_wait3A_141 = tpu.memref_slice %arg3[%mul3A_2] : memref<819200xi32, #tpu.memory_space<hbm>> -> memref<256xi32, #tpu.memory_space<hbm>>
      tpu.wait_dma2 semaphore(%dma_wait3A_137 : memref<!tpu.dma_semaphore, #tpu.memory_space<semaphore_mem>>) src(%dma_wait3A_141 : memref<256xi32, #tpu.memory_space<hbm>>) dst(%dma_wait3A_140 : memref<256xi32, #tpu.memory_space<vmem>>)
      %gt3A = arith.constant 0 : i32
      %gt3A_142 = arith.cmpi sgt, %add3A_129, %gt3A : i32
      %convert_element_type3A = arith.extui %gt3A_142 : i1 to i32
      %cond3A = arith.constant 0 : i32
      %cond3A_143 = arith.cmpi ne, %convert_element_type3A, %cond3A : i32
      scf.if %cond3A_143 {
        %dma_wait3A_426 = arith.constant 0 : i32
        %dma_wait3A_427 = arith.constant 0 : i32
        %dma_wait3A_428 = arith.constant 0 : i32
        %dma_wait3A_429 = arith.constant 0 : i32
        %dma_wait3A_430 = tpu.memref_slice %arg6[%dma_wait3A_426, %dma_wait3A_428, %dma_wait3A_429] : memref<4x256x64xf32, #tpu.memory_space<vmem>> -> memref<1x256x64xf32, #tpu.memory_space<vmem>>
        %dma_wait3A_431 = tpu.memref_squeeze %dma_wait3A_430 : memref<1x256x64xf32, #tpu.memory_space<vmem>> -> memref<256x64xf32, #tpu.memory_space<vmem>>
        %dma_wait3A_432 = arith.constant 0 : i32
        %dma_wait3A_433 = tpu.memref_slice %arg4[%mul3A_2, %dma_wait3A_432] : memref<819200x64xf32, #tpu.memory_space<hbm>> -> memref<256x64xf32, #tpu.memory_space<hbm>>
        %dma_wait3A_434 = tpu.memref_slice %arg9[%dma_wait3A_427] : memref<4x!tpu.dma_semaphore, #tpu.memory_space<semaphore_mem>> -> memref<1x!tpu.dma_semaphore, #tpu.memory_space<semaphore_mem>>
        %dma_wait3A_435 = tpu.memref_squeeze %dma_wait3A_434 : memref<1x!tpu.dma_semaphore, #tpu.memory_space<semaphore_mem>> -> memref<!tpu.dma_semaphore, #tpu.memory_space<semaphore_mem>>
        %dma_wait3A_436 = arith.constant 0 : i32
        %dma_wait3A_437 = tpu.memref_slice %arg4[%mul3A_2, %dma_wait3A_436] : memref<819200x64xf32, #tpu.memory_space<hbm>> -> memref<256x64xf32, #tpu.memory_space<hbm>>
        %dma_wait3A_438 = arith.constant 0 : i32
        %dma_wait3A_439 = arith.constant 0 : i32
        %dma_wait3A_440 = tpu.memref_slice %arg6[%dma_wait3A_426, %dma_wait3A_438, %dma_wait3A_439] : memref<4x256x64xf32, #tpu.memory_space<vmem>> -> memref<1x256x64xf32, #tpu.memory_space<vmem>>
        %dma_wait3A_441 = tpu.memref_squeeze %dma_wait3A_440 : memref<1x256x64xf32, #tpu.memory_space<vmem>> -> memref<256x64xf32, #tpu.memory_space<vmem>>
        tpu.wait_dma2 semaphore(%dma_wait3A_435 : memref<!tpu.dma_semaphore, #tpu.memory_space<semaphore_mem>>) src(%dma_wait3A_441 : memref<256x64xf32, #tpu.memory_space<vmem>>) dst(%dma_wait3A_437 : memref<256x64xf32, #tpu.memory_space<hbm>>)
      } else {
      }
      %dma_start3A_144 = arith.constant 0 : i32
      %dma_start3A_145 = arith.constant 0 : i32
      %dma_start3A_146 = arith.constant 0 : i32
      %dma_start3A_147 = arith.constant 0 : i32
      %dma_start3A_148 = arith.constant 0 : i32
      %dma_start3A_149 = tpu.memref_slice %arg6[%dma_start3A_145, %dma_start3A_147, %dma_start3A_148] : memref<4x256x64xf32, #tpu.memory_space<vmem>> -> memref<1x256x64xf32, #tpu.memory_space<vmem>>
      %dma_start3A_150 = tpu.memref_squeeze %dma_start3A_149 : memref<1x256x64xf32, #tpu.memory_space<vmem>> -> memref<256x64xf32, #tpu.memory_space<vmem>>
      %dma_start3A_151 = arith.constant 0 : i32
      %dma_start3A_152 = tpu.memref_slice %arg5[%dma_start3A_144, %dma_start3A_151] : memref<4x256xi32, #tpu.memory_space<vmem>> -> memref<1x256xi32, #tpu.memory_space<vmem>>
      %dma_start3A_153 = tpu.memref_squeeze %dma_start3A_152 : memref<1x256xi32, #tpu.memory_space<vmem>> -> memref<256xi32, #tpu.memory_space<vmem>>
      %dma_start3A_154 = arith.constant 0 : i32
      %dma_start3A_155 = arith.constant 0 : i32
      %dma_start3A_156 = tpu.memref_slice %arg2[%dma_start3A_154, %dma_start3A_155] : memref<1000000x64xf32, #tpu.memory_space<hbm>> -> memref<1000000x64xf32, #tpu.memory_space<hbm>>
      %dma_start3A_157 = tpu.memref_slice %arg8[%dma_start3A_146] : memref<4x!tpu.dma_semaphore, #tpu.memory_space<semaphore_mem>> -> memref<1x!tpu.dma_semaphore, #tpu.memory_space<semaphore_mem>>
      %dma_start3A_158 = tpu.memref_squeeze %dma_start3A_157 : memref<1x!tpu.dma_semaphore, #tpu.memory_space<semaphore_mem>> -> memref<!tpu.dma_semaphore, #tpu.memory_space<semaphore_mem>>
      tpu.enqueue_indirect_dma source(%dma_start3A_156 : memref<1000000x64xf32, #tpu.memory_space<hbm>>) target(%dma_start3A_150 : memref<256x64xf32, #tpu.memory_space<vmem>>) offsets(%dma_start3A_153 : memref<256xi32, #tpu.memory_space<vmem>>) semaphore(%dma_start3A_158 : memref<!tpu.dma_semaphore, #tpu.memory_space<semaphore_mem>>)
      %dma_wait3A_159 = arith.constant 1 : i32
      %dma_wait3A_160 = arith.constant 1 : i32
      %dma_wait3A_161 = arith.constant 0 : i32
      %dma_wait3A_162 = tpu.memref_slice %arg5[%dma_wait3A_159, %dma_wait3A_161] : memref<4x256xi32, #tpu.memory_space<vmem>> -> memref<1x256xi32, #tpu.memory_space<vmem>>
      %dma_wait3A_163 = tpu.memref_squeeze %dma_wait3A_162 : memref<1x256xi32, #tpu.memory_space<vmem>> -> memref<256xi32, #tpu.memory_space<vmem>>
      %dma_wait3A_164 = tpu.memref_slice %arg3[%mul3A_2] : memref<819200xi32, #tpu.memory_space<hbm>> -> memref<256xi32, #tpu.memory_space<hbm>>
      %dma_wait3A_165 = tpu.memref_slice %arg7[%dma_wait3A_160] : memref<4x!tpu.dma_semaphore, #tpu.memory_space<semaphore_mem>> -> memref<1x!tpu.dma_semaphore, #tpu.memory_space<semaphore_mem>>
      %dma_wait3A_166 = tpu.memref_squeeze %dma_wait3A_165 : memref<1x!tpu.dma_semaphore, #tpu.memory_space<semaphore_mem>> -> memref<!tpu.dma_semaphore, #tpu.memory_space<semaphore_mem>>
      %dma_wait3A_167 = arith.constant 0 : i32
      %dma_wait3A_168 = tpu.memref_slice %arg5[%dma_wait3A_159, %dma_wait3A_167] : memref<4x256xi32, #tpu.memory_space<vmem>> -> memref<1x256xi32, #tpu.memory_space<vmem>>
      %dma_wait3A_169 = tpu.memref_squeeze %dma_wait3A_168 : memref<1x256xi32, #tpu.memory_space<vmem>> -> memref<256xi32, #tpu.memory_space<vmem>>
      %dma_wait3A_170 = tpu.memref_slice %arg3[%mul3A_2] : memref<819200xi32, #tpu.memory_space<hbm>> -> memref<256xi32, #tpu.memory_space<hbm>>
      tpu.wait_dma2 semaphore(%dma_wait3A_166 : memref<!tpu.dma_semaphore, #tpu.memory_space<semaphore_mem>>) src(%dma_wait3A_170 : memref<256xi32, #tpu.memory_space<hbm>>) dst(%dma_wait3A_169 : memref<256xi32, #tpu.memory_space<vmem>>)
      %gt3A_171 = arith.constant 0 : i32
      %gt3A_172 = arith.cmpi sgt, %add3A_129, %gt3A_171 : i32
      %convert_element_type3A_173 = arith.extui %gt3A_172 : i1 to i32
      %cond3A_174 = arith.constant 0 : i32
      %cond3A_175 = arith.cmpi ne, %convert_element_type3A_173, %cond3A_174 : i32
      scf.if %cond3A_175 {
        %dma_wait3A_426 = arith.constant 1 : i32
        %dma_wait3A_427 = arith.constant 1 : i32
        %dma_wait3A_428 = arith.constant 0 : i32
        %dma_wait3A_429 = arith.constant 0 : i32
        %dma_wait3A_430 = tpu.memref_slice %arg6[%dma_wait3A_426, %dma_wait3A_428, %dma_wait3A_429] : memref<4x256x64xf32, #tpu.memory_space<vmem>> -> memref<1x256x64xf32, #tpu.memory_space<vmem>>
        %dma_wait3A_431 = tpu.memref_squeeze %dma_wait3A_430 : memref<1x256x64xf32, #tpu.memory_space<vmem>> -> memref<256x64xf32, #tpu.memory_space<vmem>>
        %dma_wait3A_432 = arith.constant 0 : i32
        %dma_wait3A_433 = tpu.memref_slice %arg4[%mul3A_2, %dma_wait3A_432] : memref<819200x64xf32, #tpu.memory_space<hbm>> -> memref<256x64xf32, #tpu.memory_space<hbm>>
        %dma_wait3A_434 = tpu.memref_slice %arg9[%dma_wait3A_427] : memref<4x!tpu.dma_semaphore, #tpu.memory_space<semaphore_mem>> -> memref<1x!tpu.dma_semaphore, #tpu.memory_space<semaphore_mem>>
        %dma_wait3A_435 = tpu.memref_squeeze %dma_wait3A_434 : memref<1x!tpu.dma_semaphore, #tpu.memory_space<semaphore_mem>> -> memref<!tpu.dma_semaphore, #tpu.memory_space<semaphore_mem>>
        %dma_wait3A_436 = arith.constant 0 : i32
        %dma_wait3A_437 = tpu.memref_slice %arg4[%mul3A_2, %dma_wait3A_436] : memref<819200x64xf32, #tpu.memory_space<hbm>> -> memref<256x64xf32, #tpu.memory_space<hbm>>
        %dma_wait3A_438 = arith.constant 0 : i32
        %dma_wait3A_439 = arith.constant 0 : i32
        %dma_wait3A_440 = tpu.memref_slice %arg6[%dma_wait3A_426, %dma_wait3A_438, %dma_wait3A_439] : memref<4x256x64xf32, #tpu.memory_space<vmem>> -> memref<1x256x64xf32, #tpu.memory_space<vmem>>
        %dma_wait3A_441 = tpu.memref_squeeze %dma_wait3A_440 : memref<1x256x64xf32, #tpu.memory_space<vmem>> -> memref<256x64xf32, #tpu.memory_space<vmem>>
        tpu.wait_dma2 semaphore(%dma_wait3A_435 : memref<!tpu.dma_semaphore, #tpu.memory_space<semaphore_mem>>) src(%dma_wait3A_441 : memref<256x64xf32, #tpu.memory_space<vmem>>) dst(%dma_wait3A_437 : memref<256x64xf32, #tpu.memory_space<hbm>>)
      } else {
      }
      %dma_start3A_176 = arith.constant 1 : i32
      %dma_start3A_177 = arith.constant 1 : i32
      %dma_start3A_178 = arith.constant 1 : i32
      %dma_start3A_179 = arith.constant 0 : i32
      %dma_start3A_180 = arith.constant 0 : i32
      %dma_start3A_181 = tpu.memref_slice %arg6[%dma_start3A_177, %dma_start3A_179, %dma_start3A_180] : memref<4x256x64xf32, #tpu.memory_space<vmem>> -> memref<1x256x64xf32, #tpu.memory_space<vmem>>
      %dma_start3A_182 = tpu.memref_squeeze %dma_start3A_181 : memref<1x256x64xf32, #tpu.memory_space<vmem>> -> memref<256x64xf32, #tpu.memory_space<vmem>>
      %dma_start3A_183 = arith.constant 0 : i32
      %dma_start3A_184 = tpu.memref_slice %arg5[%dma_start3A_176, %dma_start3A_183] : memref<4x256xi32, #tpu.memory_space<vmem>> -> memref<1x256xi32, #tpu.memory_space<vmem>>
      %dma_start3A_185 = tpu.memref_squeeze %dma_start3A_184 : memref<1x256xi32, #tpu.memory_space<vmem>> -> memref<256xi32, #tpu.memory_space<vmem>>
      %dma_start3A_186 = arith.constant 0 : i32
      %dma_start3A_187 = arith.constant 0 : i32
      %dma_start3A_188 = tpu.memref_slice %arg2[%dma_start3A_186, %dma_start3A_187] : memref<1000000x64xf32, #tpu.memory_space<hbm>> -> memref<1000000x64xf32, #tpu.memory_space<hbm>>
      %dma_start3A_189 = tpu.memref_slice %arg8[%dma_start3A_178] : memref<4x!tpu.dma_semaphore, #tpu.memory_space<semaphore_mem>> -> memref<1x!tpu.dma_semaphore, #tpu.memory_space<semaphore_mem>>
      %dma_start3A_190 = tpu.memref_squeeze %dma_start3A_189 : memref<1x!tpu.dma_semaphore, #tpu.memory_space<semaphore_mem>> -> memref<!tpu.dma_semaphore, #tpu.memory_space<semaphore_mem>>
      tpu.enqueue_indirect_dma source(%dma_start3A_188 : memref<1000000x64xf32, #tpu.memory_space<hbm>>) target(%dma_start3A_182 : memref<256x64xf32, #tpu.memory_space<vmem>>) offsets(%dma_start3A_185 : memref<256xi32, #tpu.memory_space<vmem>>) semaphore(%dma_start3A_190 : memref<!tpu.dma_semaphore, #tpu.memory_space<semaphore_mem>>)
      %dma_wait3A_191 = arith.constant 2 : i32
      %dma_wait3A_192 = arith.constant 2 : i32
      %dma_wait3A_193 = arith.constant 0 : i32
      %dma_wait3A_194 = tpu.memref_slice %arg5[%dma_wait3A_191, %dma_wait3A_193] : memref<4x256xi32, #tpu.memory_space<vmem>> -> memref<1x256xi32, #tpu.memory_space<vmem>>
      %dma_wait3A_195 = tpu.memref_squeeze %dma_wait3A_194 : memref<1x256xi32, #tpu.memory_space<vmem>> -> memref<256xi32, #tpu.memory_space<vmem>>
      %dma_wait3A_196 = tpu.memref_slice %arg3[%mul3A_2] : memref<819200xi32, #tpu.memory_space<hbm>> -> memref<256xi32, #tpu.memory_space<hbm>>
      %dma_wait3A_197 = tpu.memref_slice %arg7[%dma_wait3A_192] : memref<4x!tpu.dma_semaphore, #tpu.memory_space<semaphore_mem>> -> memref<1x!tpu.dma_semaphore, #tpu.memory_space<semaphore_mem>>
      %dma_wait3A_198 = tpu.memref_squeeze %dma_wait3A_197 : memref<1x!tpu.dma_semaphore, #tpu.memory_space<semaphore_mem>> -> memref<!tpu.dma_semaphore, #tpu.memory_space<semaphore_mem>>
      %dma_wait3A_199 = arith.constant 0 : i32
      %dma_wait3A_200 = tpu.memref_slice %arg5[%dma_wait3A_191, %dma_wait3A_199] : memref<4x256xi32, #tpu.memory_space<vmem>> -> memref<1x256xi32, #tpu.memory_space<vmem>>
      %dma_wait3A_201 = tpu.memref_squeeze %dma_wait3A_200 : memref<1x256xi32, #tpu.memory_space<vmem>> -> memref<256xi32, #tpu.memory_space<vmem>>
      %dma_wait3A_202 = tpu.memref_slice %arg3[%mul3A_2] : memref<819200xi32, #tpu.memory_space<hbm>> -> memref<256xi32, #tpu.memory_space<hbm>>
      tpu.wait_dma2 semaphore(%dma_wait3A_198 : memref<!tpu.dma_semaphore, #tpu.memory_space<semaphore_mem>>) src(%dma_wait3A_202 : memref<256xi32, #tpu.memory_space<hbm>>) dst(%dma_wait3A_201 : memref<256xi32, #tpu.memory_space<vmem>>)
      %gt3A_203 = arith.constant 0 : i32
      %gt3A_204 = arith.cmpi sgt, %add3A_129, %gt3A_203 : i32
      %convert_element_type3A_205 = arith.extui %gt3A_204 : i1 to i32
      %cond3A_206 = arith.constant 0 : i32
      %cond3A_207 = arith.cmpi ne, %convert_element_type3A_205, %cond3A_206 : i32
      scf.if %cond3A_207 {
        %dma_wait3A_426 = arith.constant 2 : i32
        %dma_wait3A_427 = arith.constant 2 : i32
        %dma_wait3A_428 = arith.constant 0 : i32
        %dma_wait3A_429 = arith.constant 0 : i32
        %dma_wait3A_430 = tpu.memref_slice %arg6[%dma_wait3A_426, %dma_wait3A_428, %dma_wait3A_429] : memref<4x256x64xf32, #tpu.memory_space<vmem>> -> memref<1x256x64xf32, #tpu.memory_space<vmem>>
        %dma_wait3A_431 = tpu.memref_squeeze %dma_wait3A_430 : memref<1x256x64xf32, #tpu.memory_space<vmem>> -> memref<256x64xf32, #tpu.memory_space<vmem>>
        %dma_wait3A_432 = arith.constant 0 : i32
        %dma_wait3A_433 = tpu.memref_slice %arg4[%mul3A_2, %dma_wait3A_432] : memref<819200x64xf32, #tpu.memory_space<hbm>> -> memref<256x64xf32, #tpu.memory_space<hbm>>
        %dma_wait3A_434 = tpu.memref_slice %arg9[%dma_wait3A_427] : memref<4x!tpu.dma_semaphore, #tpu.memory_space<semaphore_mem>> -> memref<1x!tpu.dma_semaphore, #tpu.memory_space<semaphore_mem>>
        %dma_wait3A_435 = tpu.memref_squeeze %dma_wait3A_434 : memref<1x!tpu.dma_semaphore, #tpu.memory_space<semaphore_mem>> -> memref<!tpu.dma_semaphore, #tpu.memory_space<semaphore_mem>>
        %dma_wait3A_436 = arith.constant 0 : i32
        %dma_wait3A_437 = tpu.memref_slice %arg4[%mul3A_2, %dma_wait3A_436] : memref<819200x64xf32, #tpu.memory_space<hbm>> -> memref<256x64xf32, #tpu.memory_space<hbm>>
        %dma_wait3A_438 = arith.constant 0 : i32
        %dma_wait3A_439 = arith.constant 0 : i32
        %dma_wait3A_440 = tpu.memref_slice %arg6[%dma_wait3A_426, %dma_wait3A_438, %dma_wait3A_439] : memref<4x256x64xf32, #tpu.memory_space<vmem>> -> memref<1x256x64xf32, #tpu.memory_space<vmem>>
        %dma_wait3A_441 = tpu.memref_squeeze %dma_wait3A_440 : memref<1x256x64xf32, #tpu.memory_space<vmem>> -> memref<256x64xf32, #tpu.memory_space<vmem>>
        tpu.wait_dma2 semaphore(%dma_wait3A_435 : memref<!tpu.dma_semaphore, #tpu.memory_space<semaphore_mem>>) src(%dma_wait3A_441 : memref<256x64xf32, #tpu.memory_space<vmem>>) dst(%dma_wait3A_437 : memref<256x64xf32, #tpu.memory_space<hbm>>)
      } else {
      }
      %dma_start3A_208 = arith.constant 2 : i32
      %dma_start3A_209 = arith.constant 2 : i32
      %dma_start3A_210 = arith.constant 2 : i32
      %dma_start3A_211 = arith.constant 0 : i32
      %dma_start3A_212 = arith.constant 0 : i32
      %dma_start3A_213 = tpu.memref_slice %arg6[%dma_start3A_209, %dma_start3A_211, %dma_start3A_212] : memref<4x256x64xf32, #tpu.memory_space<vmem>> -> memref<1x256x64xf32, #tpu.memory_space<vmem>>
      %dma_start3A_214 = tpu.memref_squeeze %dma_start3A_213 : memref<1x256x64xf32, #tpu.memory_space<vmem>> -> memref<256x64xf32, #tpu.memory_space<vmem>>
      %dma_start3A_215 = arith.constant 0 : i32
      %dma_start3A_216 = tpu.memref_slice %arg5[%dma_start3A_208, %dma_start3A_215] : memref<4x256xi32, #tpu.memory_space<vmem>> -> memref<1x256xi32, #tpu.memory_space<vmem>>
      %dma_start3A_217 = tpu.memref_squeeze %dma_start3A_216 : memref<1x256xi32, #tpu.memory_space<vmem>> -> memref<256xi32, #tpu.memory_space<vmem>>
      %dma_start3A_218 = arith.constant 0 : i32
      %dma_start3A_219 = arith.constant 0 : i32
      %dma_start3A_220 = tpu.memref_slice %arg2[%dma_start3A_218, %dma_start3A_219] : memref<1000000x64xf32, #tpu.memory_space<hbm>> -> memref<1000000x64xf32, #tpu.memory_space<hbm>>
      %dma_start3A_221 = tpu.memref_slice %arg8[%dma_start3A_210] : memref<4x!tpu.dma_semaphore, #tpu.memory_space<semaphore_mem>> -> memref<1x!tpu.dma_semaphore, #tpu.memory_space<semaphore_mem>>
      %dma_start3A_222 = tpu.memref_squeeze %dma_start3A_221 : memref<1x!tpu.dma_semaphore, #tpu.memory_space<semaphore_mem>> -> memref<!tpu.dma_semaphore, #tpu.memory_space<semaphore_mem>>
      tpu.enqueue_indirect_dma source(%dma_start3A_220 : memref<1000000x64xf32, #tpu.memory_space<hbm>>) target(%dma_start3A_214 : memref<256x64xf32, #tpu.memory_space<vmem>>) offsets(%dma_start3A_217 : memref<256xi32, #tpu.memory_space<vmem>>) semaphore(%dma_start3A_222 : memref<!tpu.dma_semaphore, #tpu.memory_space<semaphore_mem>>)
      %dma_wait3A_223 = arith.constant 3 : i32
      %dma_wait3A_224 = arith.constant 3 : i32
      %dma_wait3A_225 = arith.constant 0 : i32
      %dma_wait3A_226 = tpu.memref_slice %arg5[%dma_wait3A_223, %dma_wait3A_225] : memref<4x256xi32, #tpu.memory_space<vmem>> -> memref<1x256xi32, #tpu.memory_space<vmem>>
      %dma_wait3A_227 = tpu.memref_squeeze %dma_wait3A_226 : memref<1x256xi32, #tpu.memory_space<vmem>> -> memref<256xi32, #tpu.memory_space<vmem>>
      %dma_wait3A_228 = tpu.memref_slice %arg3[%mul3A_2] : memref<819200xi32, #tpu.memory_space<hbm>> -> memref<256xi32, #tpu.memory_space<hbm>>
      %dma_wait3A_229 = tpu.memref_slice %arg7[%dma_wait3A_224] : memref<4x!tpu.dma_semaphore, #tpu.memory_space<semaphore_mem>> -> memref<1x!tpu.dma_semaphore, #tpu.memory_space<semaphore_mem>>
      %dma_wait3A_230 = tpu.memref_squeeze %dma_wait3A_229 : memref<1x!tpu.dma_semaphore, #tpu.memory_space<semaphore_mem>> -> memref<!tpu.dma_semaphore, #tpu.memory_space<semaphore_mem>>
      %dma_wait3A_231 = arith.constant 0 : i32
      %dma_wait3A_232 = tpu.memref_slice %arg5[%dma_wait3A_223, %dma_wait3A_231] : memref<4x256xi32, #tpu.memory_space<vmem>> -> memref<1x256xi32, #tpu.memory_space<vmem>>
      %dma_wait3A_233 = tpu.memref_squeeze %dma_wait3A_232 : memref<1x256xi32, #tpu.memory_space<vmem>> -> memref<256xi32, #tpu.memory_space<vmem>>
      %dma_wait3A_234 = tpu.memref_slice %arg3[%mul3A_2] : memref<819200xi32, #tpu.memory_space<hbm>> -> memref<256xi32, #tpu.memory_space<hbm>>
      tpu.wait_dma2 semaphore(%dma_wait3A_230 : memref<!tpu.dma_semaphore, #tpu.memory_space<semaphore_mem>>) src(%dma_wait3A_234 : memref<256xi32, #tpu.memory_space<hbm>>) dst(%dma_wait3A_233 : memref<256xi32, #tpu.memory_space<vmem>>)
      %gt3A_235 = arith.constant 0 : i32
      %gt3A_236 = arith.cmpi sgt, %add3A_129, %gt3A_235 : i32
      %convert_element_type3A_237 = arith.extui %gt3A_236 : i1 to i32
      %cond3A_238 = arith.constant 0 : i32
      %cond3A_239 = arith.cmpi ne, %convert_element_type3A_237, %cond3A_238 : i32
      scf.if %cond3A_239 {
        %dma_wait3A_426 = arith.constant 3 : i32
        %dma_wait3A_427 = arith.constant 3 : i32
        %dma_wait3A_428 = arith.constant 0 : i32
        %dma_wait3A_429 = arith.constant 0 : i32
        %dma_wait3A_430 = tpu.memref_slice %arg6[%dma_wait3A_426, %dma_wait3A_428, %dma_wait3A_429] : memref<4x256x64xf32, #tpu.memory_space<vmem>> -> memref<1x256x64xf32, #tpu.memory_space<vmem>>
        %dma_wait3A_431 = tpu.memref_squeeze %dma_wait3A_430 : memref<1x256x64xf32, #tpu.memory_space<vmem>> -> memref<256x64xf32, #tpu.memory_space<vmem>>
        %dma_wait3A_432 = arith.constant 0 : i32
        %dma_wait3A_433 = tpu.memref_slice %arg4[%mul3A_2, %dma_wait3A_432] : memref<819200x64xf32, #tpu.memory_space<hbm>> -> memref<256x64xf32, #tpu.memory_space<hbm>>
        %dma_wait3A_434 = tpu.memref_slice %arg9[%dma_wait3A_427] : memref<4x!tpu.dma_semaphore, #tpu.memory_space<semaphore_mem>> -> memref<1x!tpu.dma_semaphore, #tpu.memory_space<semaphore_mem>>
        %dma_wait3A_435 = tpu.memref_squeeze %dma_wait3A_434 : memref<1x!tpu.dma_semaphore, #tpu.memory_space<semaphore_mem>> -> memref<!tpu.dma_semaphore, #tpu.memory_space<semaphore_mem>>
        %dma_wait3A_436 = arith.constant 0 : i32
        %dma_wait3A_437 = tpu.memref_slice %arg4[%mul3A_2, %dma_wait3A_436] : memref<819200x64xf32, #tpu.memory_space<hbm>> -> memref<256x64xf32, #tpu.memory_space<hbm>>
        %dma_wait3A_438 = arith.constant 0 : i32
        %dma_wait3A_439 = arith.constant 0 : i32
        %dma_wait3A_440 = tpu.memref_slice %arg6[%dma_wait3A_426, %dma_wait3A_438, %dma_wait3A_439] : memref<4x256x64xf32, #tpu.memory_space<vmem>> -> memref<1x256x64xf32, #tpu.memory_space<vmem>>
        %dma_wait3A_441 = tpu.memref_squeeze %dma_wait3A_440 : memref<1x256x64xf32, #tpu.memory_space<vmem>> -> memref<256x64xf32, #tpu.memory_space<vmem>>
        tpu.wait_dma2 semaphore(%dma_wait3A_435 : memref<!tpu.dma_semaphore, #tpu.memory_space<semaphore_mem>>) src(%dma_wait3A_441 : memref<256x64xf32, #tpu.memory_space<vmem>>) dst(%dma_wait3A_437 : memref<256x64xf32, #tpu.memory_space<hbm>>)
      } else {
      }
      %dma_start3A_240 = arith.constant 3 : i32
      %dma_start3A_241 = arith.constant 3 : i32
      %dma_start3A_242 = arith.constant 3 : i32
      %dma_start3A_243 = arith.constant 0 : i32
      %dma_start3A_244 = arith.constant 0 : i32
      %dma_start3A_245 = tpu.memref_slice %arg6[%dma_start3A_241, %dma_start3A_243, %dma_start3A_244] : memref<4x256x64xf32, #tpu.memory_space<vmem>> -> memref<1x256x64xf32, #tpu.memory_space<vmem>>
      %dma_start3A_246 = tpu.memref_squeeze %dma_start3A_245 : memref<1x256x64xf32, #tpu.memory_space<vmem>> -> memref<256x64xf32, #tpu.memory_space<vmem>>
      %dma_start3A_247 = arith.constant 0 : i32
      %dma_start3A_248 = tpu.memref_slice %arg5[%dma_start3A_240, %dma_start3A_247] : memref<4x256xi32, #tpu.memory_space<vmem>> -> memref<1x256xi32, #tpu.memory_space<vmem>>
      %dma_start3A_249 = tpu.memref_squeeze %dma_start3A_248 : memref<1x256xi32, #tpu.memory_space<vmem>> -> memref<256xi32, #tpu.memory_space<vmem>>
      %dma_start3A_250 = arith.constant 0 : i32
      %dma_start3A_251 = arith.constant 0 : i32
      %dma_start3A_252 = tpu.memref_slice %arg2[%dma_start3A_250, %dma_start3A_251] : memref<1000000x64xf32, #tpu.memory_space<hbm>> -> memref<1000000x64xf32, #tpu.memory_space<hbm>>
      %dma_start3A_253 = tpu.memref_slice %arg8[%dma_start3A_242] : memref<4x!tpu.dma_semaphore, #tpu.memory_space<semaphore_mem>> -> memref<1x!tpu.dma_semaphore, #tpu.memory_space<semaphore_mem>>
      %dma_start3A_254 = tpu.memref_squeeze %dma_start3A_253 : memref<1x!tpu.dma_semaphore, #tpu.memory_space<semaphore_mem>> -> memref<!tpu.dma_semaphore, #tpu.memory_space<semaphore_mem>>
      tpu.enqueue_indirect_dma source(%dma_start3A_252 : memref<1000000x64xf32, #tpu.memory_space<hbm>>) target(%dma_start3A_246 : memref<256x64xf32, #tpu.memory_space<vmem>>) offsets(%dma_start3A_249 : memref<256xi32, #tpu.memory_space<vmem>>) semaphore(%dma_start3A_254 : memref<!tpu.dma_semaphore, #tpu.memory_space<semaphore_mem>>)
      %add3A_255 = arith.constant 0 : i32
      %add3A_256 = arith.addi %add3A_129, %add3A_255 : i32
      %dma_wait3A_257 = arith.constant 0 : i32
      %dma_wait3A_258 = arith.constant 0 : i32
      %dma_wait3A_259 = arith.constant 0 : i32
      %dma_wait3A_260 = arith.constant 0 : i32
      %dma_wait3A_261 = arith.constant 0 : i32
      %dma_wait3A_262 = tpu.memref_slice %arg6[%dma_wait3A_258, %dma_wait3A_260, %dma_wait3A_261] : memref<4x256x64xf32, #tpu.memory_space<vmem>> -> memref<1x256x64xf32, #tpu.memory_space<vmem>>
      %dma_wait3A_263 = tpu.memref_squeeze %dma_wait3A_262 : memref<1x256x64xf32, #tpu.memory_space<vmem>> -> memref<256x64xf32, #tpu.memory_space<vmem>>
      %dma_wait3A_264 = arith.constant 0 : i32
      %dma_wait3A_265 = tpu.memref_slice %arg5[%dma_wait3A_257, %dma_wait3A_264] : memref<4x256xi32, #tpu.memory_space<vmem>> -> memref<1x256xi32, #tpu.memory_space<vmem>>
      %dma_wait3A_266 = tpu.memref_squeeze %dma_wait3A_265 : memref<1x256xi32, #tpu.memory_space<vmem>> -> memref<256xi32, #tpu.memory_space<vmem>>
      %dma_wait3A_267 = arith.constant 0 : i32
      %dma_wait3A_268 = arith.constant 0 : i32
      %dma_wait3A_269 = tpu.memref_slice %arg2[%dma_wait3A_267, %dma_wait3A_268] : memref<1000000x64xf32, #tpu.memory_space<hbm>> -> memref<1000000x64xf32, #tpu.memory_space<hbm>>
      %dma_wait3A_270 = tpu.memref_slice %arg8[%dma_wait3A_259] : memref<4x!tpu.dma_semaphore, #tpu.memory_space<semaphore_mem>> -> memref<1x!tpu.dma_semaphore, #tpu.memory_space<semaphore_mem>>
      %dma_wait3A_271 = tpu.memref_squeeze %dma_wait3A_270 : memref<1x!tpu.dma_semaphore, #tpu.memory_space<semaphore_mem>> -> memref<!tpu.dma_semaphore, #tpu.memory_space<semaphore_mem>>
      tpu.wait_indirect_dma semaphore(%dma_wait3A_271 : memref<!tpu.dma_semaphore, #tpu.memory_space<semaphore_mem>>) src(%dma_wait3A_269 : memref<1000000x64xf32, #tpu.memory_space<hbm>>) dst(%dma_wait3A_263 : memref<256x64xf32, #tpu.memory_space<vmem>>)
      %add3A_272 = arith.constant 4 : i32
      %add3A_273 = arith.addi %add3A_256, %add3A_272 : i32
      %lt3A = arith.constant 100 : i32
      %lt3A_274 = arith.cmpi slt, %add3A_273, %lt3A : i32
      %convert_element_type3A_275 = arith.extui %lt3A_274 : i1 to i32
      %cond3A_276 = arith.constant 0 : i32
      %cond3A_277 = arith.cmpi ne, %convert_element_type3A_275, %cond3A_276 : i32
      scf.if %cond3A_277 {
        %add3A_426 = arith.constant 4 : i32
        %add3A_427 = arith.addi %add3A_256, %add3A_426 : i32
        %mul3A_428 = arith.constant 256 : i32
        %mul3A_429 = arith.muli %add3A_427, %mul3A_428 : i32
        %add3A_430 = arith.addi %mul3A_2, %mul3A_429 : i32
        %dma_start3A_431 = arith.constant 0 : i32
        %dma_start3A_432 = arith.constant 0 : i32
        %dma_start3A_433 = arith.constant 0 : i32
        %dma_start3A_434 = tpu.memref_slice %arg5[%dma_start3A_431, %dma_start3A_433] : memref<4x256xi32, #tpu.memory_space<vmem>> -> memref<1x256xi32, #tpu.memory_space<vmem>>
        %dma_start3A_435 = tpu.memref_squeeze %dma_start3A_434 : memref<1x256xi32, #tpu.memory_space<vmem>> -> memref<256xi32, #tpu.memory_space<vmem>>
        %dma_start3A_436 = tpu.memref_slice %arg3[%add3A_430] : memref<819200xi32, #tpu.memory_space<hbm>> -> memref<256xi32, #tpu.memory_space<hbm>>
        %dma_start3A_437 = tpu.memref_slice %arg7[%dma_start3A_432] : memref<4x!tpu.dma_semaphore, #tpu.memory_space<semaphore_mem>> -> memref<1x!tpu.dma_semaphore, #tpu.memory_space<semaphore_mem>>
        %dma_start3A_438 = tpu.memref_squeeze %dma_start3A_437 : memref<1x!tpu.dma_semaphore, #tpu.memory_space<semaphore_mem>> -> memref<!tpu.dma_semaphore, #tpu.memory_space<semaphore_mem>>
        %dma_start3A_439 = arith.constant 0 : i32
        %dma_start3A_440 = tpu.memref_slice %arg5[%dma_start3A_431, %dma_start3A_439] : memref<4x256xi32, #tpu.memory_space<vmem>> -> memref<1x256xi32, #tpu.memory_space<vmem>>
        %dma_start3A_441 = tpu.memref_squeeze %dma_start3A_440 : memref<1x256xi32, #tpu.memory_space<vmem>> -> memref<256xi32, #tpu.memory_space<vmem>>
        %dma_start3A_442 = tpu.memref_slice %arg3[%add3A_430] : memref<819200xi32, #tpu.memory_space<hbm>> -> memref<256xi32, #tpu.memory_space<hbm>>
        tpu.enqueue_dma source(%dma_start3A_442 : memref<256xi32, #tpu.memory_space<hbm>>) target(%dma_start3A_441 : memref<256xi32, #tpu.memory_space<vmem>>) target_semaphore(%dma_start3A_438 : memref<!tpu.dma_semaphore, #tpu.memory_space<semaphore_mem>>)
      } else {
      }
      %mul3A_278 = arith.constant 256 : i32
      %mul3A_279 = arith.muli %add3A_256, %mul3A_278 : i32
      %add3A_280 = arith.addi %mul3A_2, %mul3A_279 : i32
      %dma_start3A_281 = arith.constant 0 : i32
      %dma_start3A_282 = arith.constant 0 : i32
      %dma_start3A_283 = arith.constant 0 : i32
      %dma_start3A_284 = arith.constant 0 : i32
      %dma_start3A_285 = tpu.memref_slice %arg6[%dma_start3A_281, %dma_start3A_283, %dma_start3A_284] : memref<4x256x64xf32, #tpu.memory_space<vmem>> -> memref<1x256x64xf32, #tpu.memory_space<vmem>>
      %dma_start3A_286 = tpu.memref_squeeze %dma_start3A_285 : memref<1x256x64xf32, #tpu.memory_space<vmem>> -> memref<256x64xf32, #tpu.memory_space<vmem>>
      %dma_start3A_287 = arith.constant 0 : i32
      %dma_start3A_288 = tpu.memref_slice %arg4[%add3A_280, %dma_start3A_287] : memref<819200x64xf32, #tpu.memory_space<hbm>> -> memref<256x64xf32, #tpu.memory_space<hbm>>
      %dma_start3A_289 = tpu.memref_slice %arg9[%dma_start3A_282] : memref<4x!tpu.dma_semaphore, #tpu.memory_space<semaphore_mem>> -> memref<1x!tpu.dma_semaphore, #tpu.memory_space<semaphore_mem>>
      %dma_start3A_290 = tpu.memref_squeeze %dma_start3A_289 : memref<1x!tpu.dma_semaphore, #tpu.memory_space<semaphore_mem>> -> memref<!tpu.dma_semaphore, #tpu.memory_space<semaphore_mem>>
      %dma_start3A_291 = arith.constant 0 : i32
      %dma_start3A_292 = tpu.memref_slice %arg4[%add3A_280, %dma_start3A_291] : memref<819200x64xf32, #tpu.memory_space<hbm>> -> memref<256x64xf32, #tpu.memory_space<hbm>>
      %dma_start3A_293 = arith.constant 0 : i32
      %dma_start3A_294 = arith.constant 0 : i32
      %dma_start3A_295 = tpu.memref_slice %arg6[%dma_start3A_281, %dma_start3A_293, %dma_start3A_294] : memref<4x256x64xf32, #tpu.memory_space<vmem>> -> memref<1x256x64xf32, #tpu.memory_space<vmem>>
      %dma_start3A_296 = tpu.memref_squeeze %dma_start3A_295 : memref<1x256x64xf32, #tpu.memory_space<vmem>> -> memref<256x64xf32, #tpu.memory_space<vmem>>
      tpu.enqueue_dma source(%dma_start3A_296 : memref<256x64xf32, #tpu.memory_space<vmem>>) target(%dma_start3A_292 : memref<256x64xf32, #tpu.memory_space<hbm>>) target_semaphore(%dma_start3A_290 : memref<!tpu.dma_semaphore, #tpu.memory_space<semaphore_mem>>)
      %add3A_297 = arith.constant 1 : i32
      %add3A_298 = arith.addi %add3A_129, %add3A_297 : i32
      %dma_wait3A_299 = arith.constant 1 : i32
      %dma_wait3A_300 = arith.constant 1 : i32
      %dma_wait3A_301 = arith.constant 1 : i32
      %dma_wait3A_302 = arith.constant 0 : i32
      %dma_wait3A_303 = arith.constant 0 : i32
      %dma_wait3A_304 = tpu.memref_slice %arg6[%dma_wait3A_300, %dma_wait3A_302, %dma_wait3A_303] : memref<4x256x64xf32, #tpu.memory_space<vmem>> -> memref<1x256x64xf32, #tpu.memory_space<vmem>>
      %dma_wait3A_305 = tpu.memref_squeeze %dma_wait3A_304 : memref<1x256x64xf32, #tpu.memory_space<vmem>> -> memref<256x64xf32, #tpu.memory_space<vmem>>
      %dma_wait3A_306 = arith.constant 0 : i32
      %dma_wait3A_307 = tpu.memref_slice %arg5[%dma_wait3A_299, %dma_wait3A_306] : memref<4x256xi32, #tpu.memory_space<vmem>> -> memref<1x256xi32, #tpu.memory_space<vmem>>
      %dma_wait3A_308 = tpu.memref_squeeze %dma_wait3A_307 : memref<1x256xi32, #tpu.memory_space<vmem>> -> memref<256xi32, #tpu.memory_space<vmem>>
      %dma_wait3A_309 = arith.constant 0 : i32
      %dma_wait3A_310 = arith.constant 0 : i32
      %dma_wait3A_311 = tpu.memref_slice %arg2[%dma_wait3A_309, %dma_wait3A_310] : memref<1000000x64xf32, #tpu.memory_space<hbm>> -> memref<1000000x64xf32, #tpu.memory_space<hbm>>
      %dma_wait3A_312 = tpu.memref_slice %arg8[%dma_wait3A_301] : memref<4x!tpu.dma_semaphore, #tpu.memory_space<semaphore_mem>> -> memref<1x!tpu.dma_semaphore, #tpu.memory_space<semaphore_mem>>
      %dma_wait3A_313 = tpu.memref_squeeze %dma_wait3A_312 : memref<1x!tpu.dma_semaphore, #tpu.memory_space<semaphore_mem>> -> memref<!tpu.dma_semaphore, #tpu.memory_space<semaphore_mem>>
      tpu.wait_indirect_dma semaphore(%dma_wait3A_313 : memref<!tpu.dma_semaphore, #tpu.memory_space<semaphore_mem>>) src(%dma_wait3A_311 : memref<1000000x64xf32, #tpu.memory_space<hbm>>) dst(%dma_wait3A_305 : memref<256x64xf32, #tpu.memory_space<vmem>>)
      %add3A_314 = arith.constant 4 : i32
      %add3A_315 = arith.addi %add3A_298, %add3A_314 : i32
      %lt3A_316 = arith.constant 100 : i32
      %lt3A_317 = arith.cmpi slt, %add3A_315, %lt3A_316 : i32
      %convert_element_type3A_318 = arith.extui %lt3A_317 : i1 to i32
      %cond3A_319 = arith.constant 0 : i32
      %cond3A_320 = arith.cmpi ne, %convert_element_type3A_318, %cond3A_319 : i32
      scf.if %cond3A_320 {
        %add3A_426 = arith.constant 4 : i32
        %add3A_427 = arith.addi %add3A_298, %add3A_426 : i32
        %mul3A_428 = arith.constant 256 : i32
        %mul3A_429 = arith.muli %add3A_427, %mul3A_428 : i32
        %add3A_430 = arith.addi %mul3A_2, %mul3A_429 : i32
        %dma_start3A_431 = arith.constant 1 : i32
        %dma_start3A_432 = arith.constant 1 : i32
        %dma_start3A_433 = arith.constant 0 : i32
        %dma_start3A_434 = tpu.memref_slice %arg5[%dma_start3A_431, %dma_start3A_433] : memref<4x256xi32, #tpu.memory_space<vmem>> -> memref<1x256xi32, #tpu.memory_space<vmem>>
        %dma_start3A_435 = tpu.memref_squeeze %dma_start3A_434 : memref<1x256xi32, #tpu.memory_space<vmem>> -> memref<256xi32, #tpu.memory_space<vmem>>
        %dma_start3A_436 = tpu.memref_slice %arg3[%add3A_430] : memref<819200xi32, #tpu.memory_space<hbm>> -> memref<256xi32, #tpu.memory_space<hbm>>
        %dma_start3A_437 = tpu.memref_slice %arg7[%dma_start3A_432] : memref<4x!tpu.dma_semaphore, #tpu.memory_space<semaphore_mem>> -> memref<1x!tpu.dma_semaphore, #tpu.memory_space<semaphore_mem>>
        %dma_start3A_438 = tpu.memref_squeeze %dma_start3A_437 : memref<1x!tpu.dma_semaphore, #tpu.memory_space<semaphore_mem>> -> memref<!tpu.dma_semaphore, #tpu.memory_space<semaphore_mem>>
        %dma_start3A_439 = arith.constant 0 : i32
        %dma_start3A_440 = tpu.memref_slice %arg5[%dma_start3A_431, %dma_start3A_439] : memref<4x256xi32, #tpu.memory_space<vmem>> -> memref<1x256xi32, #tpu.memory_space<vmem>>
        %dma_start3A_441 = tpu.memref_squeeze %dma_start3A_440 : memref<1x256xi32, #tpu.memory_space<vmem>> -> memref<256xi32, #tpu.memory_space<vmem>>
        %dma_start3A_442 = tpu.memref_slice %arg3[%add3A_430] : memref<819200xi32, #tpu.memory_space<hbm>> -> memref<256xi32, #tpu.memory_space<hbm>>
        tpu.enqueue_dma source(%dma_start3A_442 : memref<256xi32, #tpu.memory_space<hbm>>) target(%dma_start3A_441 : memref<256xi32, #tpu.memory_space<vmem>>) target_semaphore(%dma_start3A_438 : memref<!tpu.dma_semaphore, #tpu.memory_space<semaphore_mem>>)
      } else {
      }
      %mul3A_321 = arith.constant 256 : i32
      %mul3A_322 = arith.muli %add3A_298, %mul3A_321 : i32
      %add3A_323 = arith.addi %mul3A_2, %mul3A_322 : i32
      %dma_start3A_324 = arith.constant 1 : i32
      %dma_start3A_325 = arith.constant 1 : i32
      %dma_start3A_326 = arith.constant 0 : i32
      %dma_start3A_327 = arith.constant 0 : i32
      %dma_start3A_328 = tpu.memref_slice %arg6[%dma_start3A_324, %dma_start3A_326, %dma_start3A_327] : memref<4x256x64xf32, #tpu.memory_space<vmem>> -> memref<1x256x64xf32, #tpu.memory_space<vmem>>
      %dma_start3A_329 = tpu.memref_squeeze %dma_start3A_328 : memref<1x256x64xf32, #tpu.memory_space<vmem>> -> memref<256x64xf32, #tpu.memory_space<vmem>>
      %dma_start3A_330 = arith.constant 0 : i32
      %dma_start3A_331 = tpu.memref_slice %arg4[%add3A_323, %dma_start3A_330] : memref<819200x64xf32, #tpu.memory_space<hbm>> -> memref<256x64xf32, #tpu.memory_space<hbm>>
      %dma_start3A_332 = tpu.memref_slice %arg9[%dma_start3A_325] : memref<4x!tpu.dma_semaphore, #tpu.memory_space<semaphore_mem>> -> memref<1x!tpu.dma_semaphore, #tpu.memory_space<semaphore_mem>>
      %dma_start3A_333 = tpu.memref_squeeze %dma_start3A_332 : memref<1x!tpu.dma_semaphore, #tpu.memory_space<semaphore_mem>> -> memref<!tpu.dma_semaphore, #tpu.memory_space<semaphore_mem>>
      %dma_start3A_334 = arith.constant 0 : i32
      %dma_start3A_335 = tpu.memref_slice %arg4[%add3A_323, %dma_start3A_334] : memref<819200x64xf32, #tpu.memory_space<hbm>> -> memref<256x64xf32, #tpu.memory_space<hbm>>
      %dma_start3A_336 = arith.constant 0 : i32
      %dma_start3A_337 = arith.constant 0 : i32
      %dma_start3A_338 = tpu.memref_slice %arg6[%dma_start3A_324, %dma_start3A_336, %dma_start3A_337] : memref<4x256x64xf32, #tpu.memory_space<vmem>> -> memref<1x256x64xf32, #tpu.memory_space<vmem>>
      %dma_start3A_339 = tpu.memref_squeeze %dma_start3A_338 : memref<1x256x64xf32, #tpu.memory_space<vmem>> -> memref<256x64xf32, #tpu.memory_space<vmem>>
      tpu.enqueue_dma source(%dma_start3A_339 : memref<256x64xf32, #tpu.memory_space<vmem>>) target(%dma_start3A_335 : memref<256x64xf32, #tpu.memory_space<hbm>>) target_semaphore(%dma_start3A_333 : memref<!tpu.dma_semaphore, #tpu.memory_space<semaphore_mem>>)
      %add3A_340 = arith.constant 2 : i32
      %add3A_341 = arith.addi %add3A_129, %add3A_340 : i32
      %dma_wait3A_342 = arith.constant 2 : i32
      %dma_wait3A_343 = arith.constant 2 : i32
      %dma_wait3A_344 = arith.constant 2 : i32
      %dma_wait3A_345 = arith.constant 0 : i32
      %dma_wait3A_346 = arith.constant 0 : i32
      %dma_wait3A_347 = tpu.memref_slice %arg6[%dma_wait3A_343, %dma_wait3A_345, %dma_wait3A_346] : memref<4x256x64xf32, #tpu.memory_space<vmem>> -> memref<1x256x64xf32, #tpu.memory_space<vmem>>
      %dma_wait3A_348 = tpu.memref_squeeze %dma_wait3A_347 : memref<1x256x64xf32, #tpu.memory_space<vmem>> -> memref<256x64xf32, #tpu.memory_space<vmem>>
      %dma_wait3A_349 = arith.constant 0 : i32
      %dma_wait3A_350 = tpu.memref_slice %arg5[%dma_wait3A_342, %dma_wait3A_349] : memref<4x256xi32, #tpu.memory_space<vmem>> -> memref<1x256xi32, #tpu.memory_space<vmem>>
      %dma_wait3A_351 = tpu.memref_squeeze %dma_wait3A_350 : memref<1x256xi32, #tpu.memory_space<vmem>> -> memref<256xi32, #tpu.memory_space<vmem>>
      %dma_wait3A_352 = arith.constant 0 : i32
      %dma_wait3A_353 = arith.constant 0 : i32
      %dma_wait3A_354 = tpu.memref_slice %arg2[%dma_wait3A_352, %dma_wait3A_353] : memref<1000000x64xf32, #tpu.memory_space<hbm>> -> memref<1000000x64xf32, #tpu.memory_space<hbm>>
      %dma_wait3A_355 = tpu.memref_slice %arg8[%dma_wait3A_344] : memref<4x!tpu.dma_semaphore, #tpu.memory_space<semaphore_mem>> -> memref<1x!tpu.dma_semaphore, #tpu.memory_space<semaphore_mem>>
      %dma_wait3A_356 = tpu.memref_squeeze %dma_wait3A_355 : memref<1x!tpu.dma_semaphore, #tpu.memory_space<semaphore_mem>> -> memref<!tpu.dma_semaphore, #tpu.memory_space<semaphore_mem>>
      tpu.wait_indirect_dma semaphore(%dma_wait3A_356 : memref<!tpu.dma_semaphore, #tpu.memory_space<semaphore_mem>>) src(%dma_wait3A_354 : memref<1000000x64xf32, #tpu.memory_space<hbm>>) dst(%dma_wait3A_348 : memref<256x64xf32, #tpu.memory_space<vmem>>)
      %add3A_357 = arith.constant 4 : i32
      %add3A_358 = arith.addi %add3A_341, %add3A_357 : i32
      %lt3A_359 = arith.constant 100 : i32
      %lt3A_360 = arith.cmpi slt, %add3A_358, %lt3A_359 : i32
      %convert_element_type3A_361 = arith.extui %lt3A_360 : i1 to i32
      %cond3A_362 = arith.constant 0 : i32
      %cond3A_363 = arith.cmpi ne, %convert_element_type3A_361, %cond3A_362 : i32
      scf.if %cond3A_363 {
        %add3A_426 = arith.constant 4 : i32
        %add3A_427 = arith.addi %add3A_341, %add3A_426 : i32
        %mul3A_428 = arith.constant 256 : i32
        %mul3A_429 = arith.muli %add3A_427, %mul3A_428 : i32
        %add3A_430 = arith.addi %mul3A_2, %mul3A_429 : i32
        %dma_start3A_431 = arith.constant 2 : i32
        %dma_start3A_432 = arith.constant 2 : i32
        %dma_start3A_433 = arith.constant 0 : i32
        %dma_start3A_434 = tpu.memref_slice %arg5[%dma_start3A_431, %dma_start3A_433] : memref<4x256xi32, #tpu.memory_space<vmem>> -> memref<1x256xi32, #tpu.memory_space<vmem>>
        %dma_start3A_435 = tpu.memref_squeeze %dma_start3A_434 : memref<1x256xi32, #tpu.memory_space<vmem>> -> memref<256xi32, #tpu.memory_space<vmem>>
        %dma_start3A_436 = tpu.memref_slice %arg3[%add3A_430] : memref<819200xi32, #tpu.memory_space<hbm>> -> memref<256xi32, #tpu.memory_space<hbm>>
        %dma_start3A_437 = tpu.memref_slice %arg7[%dma_start3A_432] : memref<4x!tpu.dma_semaphore, #tpu.memory_space<semaphore_mem>> -> memref<1x!tpu.dma_semaphore, #tpu.memory_space<semaphore_mem>>
        %dma_start3A_438 = tpu.memref_squeeze %dma_start3A_437 : memref<1x!tpu.dma_semaphore, #tpu.memory_space<semaphore_mem>> -> memref<!tpu.dma_semaphore, #tpu.memory_space<semaphore_mem>>
        %dma_start3A_439 = arith.constant 0 : i32
        %dma_start3A_440 = tpu.memref_slice %arg5[%dma_start3A_431, %dma_start3A_439] : memref<4x256xi32, #tpu.memory_space<vmem>> -> memref<1x256xi32, #tpu.memory_space<vmem>>
        %dma_start3A_441 = tpu.memref_squeeze %dma_start3A_440 : memref<1x256xi32, #tpu.memory_space<vmem>> -> memref<256xi32, #tpu.memory_space<vmem>>
        %dma_start3A_442 = tpu.memref_slice %arg3[%add3A_430] : memref<819200xi32, #tpu.memory_space<hbm>> -> memref<256xi32, #tpu.memory_space<hbm>>
        tpu.enqueue_dma source(%dma_start3A_442 : memref<256xi32, #tpu.memory_space<hbm>>) target(%dma_start3A_441 : memref<256xi32, #tpu.memory_space<vmem>>) target_semaphore(%dma_start3A_438 : memref<!tpu.dma_semaphore, #tpu.memory_space<semaphore_mem>>)
      } else {
      }
      %mul3A_364 = arith.constant 256 : i32
      %mul3A_365 = arith.muli %add3A_341, %mul3A_364 : i32
      %add3A_366 = arith.addi %mul3A_2, %mul3A_365 : i32
      %dma_start3A_367 = arith.constant 2 : i32
      %dma_start3A_368 = arith.constant 2 : i32
      %dma_start3A_369 = arith.constant 0 : i32
      %dma_start3A_370 = arith.constant 0 : i32
      %dma_start3A_371 = tpu.memref_slice %arg6[%dma_start3A_367, %dma_start3A_369, %dma_start3A_370] : memref<4x256x64xf32, #tpu.memory_space<vmem>> -> memref<1x256x64xf32, #tpu.memory_space<vmem>>
      %dma_start3A_372 = tpu.memref_squeeze %dma_start3A_371 : memref<1x256x64xf32, #tpu.memory_space<vmem>> -> memref<256x64xf32, #tpu.memory_space<vmem>>
      %dma_start3A_373 = arith.constant 0 : i32
      %dma_start3A_374 = tpu.memref_slice %arg4[%add3A_366, %dma_start3A_373] : memref<819200x64xf32, #tpu.memory_space<hbm>> -> memref<256x64xf32, #tpu.memory_space<hbm>>
      %dma_start3A_375 = tpu.memref_slice %arg9[%dma_start3A_368] : memref<4x!tpu.dma_semaphore, #tpu.memory_space<semaphore_mem>> -> memref<1x!tpu.dma_semaphore, #tpu.memory_space<semaphore_mem>>
      %dma_start3A_376 = tpu.memref_squeeze %dma_start3A_375 : memref<1x!tpu.dma_semaphore, #tpu.memory_space<semaphore_mem>> -> memref<!tpu.dma_semaphore, #tpu.memory_space<semaphore_mem>>
      %dma_start3A_377 = arith.constant 0 : i32
      %dma_start3A_378 = tpu.memref_slice %arg4[%add3A_366, %dma_start3A_377] : memref<819200x64xf32, #tpu.memory_space<hbm>> -> memref<256x64xf32, #tpu.memory_space<hbm>>
      %dma_start3A_379 = arith.constant 0 : i32
      %dma_start3A_380 = arith.constant 0 : i32
      %dma_start3A_381 = tpu.memref_slice %arg6[%dma_start3A_367, %dma_start3A_379, %dma_start3A_380] : memref<4x256x64xf32, #tpu.memory_space<vmem>> -> memref<1x256x64xf32, #tpu.memory_space<vmem>>
      %dma_start3A_382 = tpu.memref_squeeze %dma_start3A_381 : memref<1x256x64xf32, #tpu.memory_space<vmem>> -> memref<256x64xf32, #tpu.memory_space<vmem>>
      tpu.enqueue_dma source(%dma_start3A_382 : memref<256x64xf32, #tpu.memory_space<vmem>>) target(%dma_start3A_378 : memref<256x64xf32, #tpu.memory_space<hbm>>) target_semaphore(%dma_start3A_376 : memref<!tpu.dma_semaphore, #tpu.memory_space<semaphore_mem>>)
      %add3A_383 = arith.constant 3 : i32
      %add3A_384 = arith.addi %add3A_129, %add3A_383 : i32
      %dma_wait3A_385 = arith.constant 3 : i32
      %dma_wait3A_386 = arith.constant 3 : i32
      %dma_wait3A_387 = arith.constant 3 : i32
      %dma_wait3A_388 = arith.constant 0 : i32
      %dma_wait3A_389 = arith.constant 0 : i32
      %dma_wait3A_390 = tpu.memref_slice %arg6[%dma_wait3A_386, %dma_wait3A_388, %dma_wait3A_389] : memref<4x256x64xf32, #tpu.memory_space<vmem>> -> memref<1x256x64xf32, #tpu.memory_space<vmem>>
      %dma_wait3A_391 = tpu.memref_squeeze %dma_wait3A_390 : memref<1x256x64xf32, #tpu.memory_space<vmem>> -> memref<256x64xf32, #tpu.memory_space<vmem>>
      %dma_wait3A_392 = arith.constant 0 : i32
      %dma_wait3A_393 = tpu.memref_slice %arg5[%dma_wait3A_385, %dma_wait3A_392] : memref<4x256xi32, #tpu.memory_space<vmem>> -> memref<1x256xi32, #tpu.memory_space<vmem>>
      %dma_wait3A_394 = tpu.memref_squeeze %dma_wait3A_393 : memref<1x256xi32, #tpu.memory_space<vmem>> -> memref<256xi32, #tpu.memory_space<vmem>>
      %dma_wait3A_395 = arith.constant 0 : i32
      %dma_wait3A_396 = arith.constant 0 : i32
      %dma_wait3A_397 = tpu.memref_slice %arg2[%dma_wait3A_395, %dma_wait3A_396] : memref<1000000x64xf32, #tpu.memory_space<hbm>> -> memref<1000000x64xf32, #tpu.memory_space<hbm>>
      %dma_wait3A_398 = tpu.memref_slice %arg8[%dma_wait3A_387] : memref<4x!tpu.dma_semaphore, #tpu.memory_space<semaphore_mem>> -> memref<1x!tpu.dma_semaphore, #tpu.memory_space<semaphore_mem>>
      %dma_wait3A_399 = tpu.memref_squeeze %dma_wait3A_398 : memref<1x!tpu.dma_semaphore, #tpu.memory_space<semaphore_mem>> -> memref<!tpu.dma_semaphore, #tpu.memory_space<semaphore_mem>>
      tpu.wait_indirect_dma semaphore(%dma_wait3A_399 : memref<!tpu.dma_semaphore, #tpu.memory_space<semaphore_mem>>) src(%dma_wait3A_397 : memref<1000000x64xf32, #tpu.memory_space<hbm>>) dst(%dma_wait3A_391 : memref<256x64xf32, #tpu.memory_space<vmem>>)
      %add3A_400 = arith.constant 4 : i32
      %add3A_401 = arith.addi %add3A_384, %add3A_400 : i32
      %lt3A_402 = arith.constant 100 : i32
      %lt3A_403 = arith.cmpi slt, %add3A_401, %lt3A_402 : i32
      %convert_element_type3A_404 = arith.extui %lt3A_403 : i1 to i32
      %cond3A_405 = arith.constant 0 : i32
      %cond3A_406 = arith.cmpi ne, %convert_element_type3A_404, %cond3A_405 : i32
      scf.if %cond3A_406 {
        %add3A_426 = arith.constant 4 : i32
        %add3A_427 = arith.addi %add3A_384, %add3A_426 : i32
        %mul3A_428 = arith.constant 256 : i32
        %mul3A_429 = arith.muli %add3A_427, %mul3A_428 : i32
        %add3A_430 = arith.addi %mul3A_2, %mul3A_429 : i32
        %dma_start3A_431 = arith.constant 3 : i32
        %dma_start3A_432 = arith.constant 3 : i32
        %dma_start3A_433 = arith.constant 0 : i32
        %dma_start3A_434 = tpu.memref_slice %arg5[%dma_start3A_431, %dma_start3A_433] : memref<4x256xi32, #tpu.memory_space<vmem>> -> memref<1x256xi32, #tpu.memory_space<vmem>>
        %dma_start3A_435 = tpu.memref_squeeze %dma_start3A_434 : memref<1x256xi32, #tpu.memory_space<vmem>> -> memref<256xi32, #tpu.memory_space<vmem>>
        %dma_start3A_436 = tpu.memref_slice %arg3[%add3A_430] : memref<819200xi32, #tpu.memory_space<hbm>> -> memref<256xi32, #tpu.memory_space<hbm>>
        %dma_start3A_437 = tpu.memref_slice %arg7[%dma_start3A_432] : memref<4x!tpu.dma_semaphore, #tpu.memory_space<semaphore_mem>> -> memref<1x!tpu.dma_semaphore, #tpu.memory_space<semaphore_mem>>
        %dma_start3A_438 = tpu.memref_squeeze %dma_start3A_437 : memref<1x!tpu.dma_semaphore, #tpu.memory_space<semaphore_mem>> -> memref<!tpu.dma_semaphore, #tpu.memory_space<semaphore_mem>>
        %dma_start3A_439 = arith.constant 0 : i32
        %dma_start3A_440 = tpu.memref_slice %arg5[%dma_start3A_431, %dma_start3A_439] : memref<4x256xi32, #tpu.memory_space<vmem>> -> memref<1x256xi32, #tpu.memory_space<vmem>>
        %dma_start3A_441 = tpu.memref_squeeze %dma_start3A_440 : memref<1x256xi32, #tpu.memory_space<vmem>> -> memref<256xi32, #tpu.memory_space<vmem>>
        %dma_start3A_442 = tpu.memref_slice %arg3[%add3A_430] : memref<819200xi32, #tpu.memory_space<hbm>> -> memref<256xi32, #tpu.memory_space<hbm>>
        tpu.enqueue_dma source(%dma_start3A_442 : memref<256xi32, #tpu.memory_space<hbm>>) target(%dma_start3A_441 : memref<256xi32, #tpu.memory_space<vmem>>) target_semaphore(%dma_start3A_438 : memref<!tpu.dma_semaphore, #tpu.memory_space<semaphore_mem>>)
      } else {
      }
      %mul3A_407 = arith.constant 256 : i32
      %mul3A_408 = arith.muli %add3A_384, %mul3A_407 : i32
      %add3A_409 = arith.addi %mul3A_2, %mul3A_408 : i32
      %dma_start3A_410 = arith.constant 3 : i32
      %dma_start3A_411 = arith.constant 3 : i32
      %dma_start3A_412 = arith.constant 0 : i32
      %dma_start3A_413 = arith.constant 0 : i32
      %dma_start3A_414 = tpu.memref_slice %arg6[%dma_start3A_410, %dma_start3A_412, %dma_start3A_413] : memref<4x256x64xf32, #tpu.memory_space<vmem>> -> memref<1x256x64xf32, #tpu.memory_space<vmem>>
      %dma_start3A_415 = tpu.memref_squeeze %dma_start3A_414 : memref<1x256x64xf32, #tpu.memory_space<vmem>> -> memref<256x64xf32, #tpu.memory_space<vmem>>
      %dma_start3A_416 = arith.constant 0 : i32
      %dma_start3A_417 = tpu.memref_slice %arg4[%add3A_409, %dma_start3A_416] : memref<819200x64xf32, #tpu.memory_space<hbm>> -> memref<256x64xf32, #tpu.memory_space<hbm>>
      %dma_start3A_418 = tpu.memref_slice %arg9[%dma_start3A_411] : memref<4x!tpu.dma_semaphore, #tpu.memory_space<semaphore_mem>> -> memref<1x!tpu.dma_semaphore, #tpu.memory_space<semaphore_mem>>
      %dma_start3A_419 = tpu.memref_squeeze %dma_start3A_418 : memref<1x!tpu.dma_semaphore, #tpu.memory_space<semaphore_mem>> -> memref<!tpu.dma_semaphore, #tpu.memory_space<semaphore_mem>>
      %dma_start3A_420 = arith.constant 0 : i32
      %dma_start3A_421 = tpu.memref_slice %arg4[%add3A_409, %dma_start3A_420] : memref<819200x64xf32, #tpu.memory_space<hbm>> -> memref<256x64xf32, #tpu.memory_space<hbm>>
      %dma_start3A_422 = arith.constant 0 : i32
      %dma_start3A_423 = arith.constant 0 : i32
      %dma_start3A_424 = tpu.memref_slice %arg6[%dma_start3A_410, %dma_start3A_422, %dma_start3A_423] : memref<4x256x64xf32, #tpu.memory_space<vmem>> -> memref<1x256x64xf32, #tpu.memory_space<vmem>>
      %dma_start3A_425 = tpu.memref_squeeze %dma_start3A_424 : memref<1x256x64xf32, #tpu.memory_space<vmem>> -> memref<256x64xf32, #tpu.memory_space<vmem>>
      tpu.enqueue_dma source(%dma_start3A_425 : memref<256x64xf32, #tpu.memory_space<vmem>>) target(%dma_start3A_421 : memref<256x64xf32, #tpu.memory_space<hbm>>) target_semaphore(%dma_start3A_419 : memref<!tpu.dma_semaphore, #tpu.memory_space<semaphore_mem>>)
    }
    %scan3A_61 = arith.constant 25 : i32
    %dma_wait3A = arith.constant 0 : i32
    %dma_wait3A_62 = arith.constant 0 : i32
    %dma_wait3A_63 = arith.constant 0 : i32
    %dma_wait3A_64 = arith.constant 0 : i32
    %dma_wait3A_65 = tpu.memref_slice %arg6[%dma_wait3A, %dma_wait3A_63, %dma_wait3A_64] : memref<4x256x64xf32, #tpu.memory_space<vmem>> -> memref<1x256x64xf32, #tpu.memory_space<vmem>>
    %dma_wait3A_66 = tpu.memref_squeeze %dma_wait3A_65 : memref<1x256x64xf32, #tpu.memory_space<vmem>> -> memref<256x64xf32, #tpu.memory_space<vmem>>
    %dma_wait3A_67 = arith.constant 0 : i32
    %dma_wait3A_68 = tpu.memref_slice %arg4[%mul3A_2, %dma_wait3A_67] : memref<819200x64xf32, #tpu.memory_space<hbm>> -> memref<256x64xf32, #tpu.memory_space<hbm>>
    %dma_wait3A_69 = tpu.memref_slice %arg9[%dma_wait3A_62] : memref<4x!tpu.dma_semaphore, #tpu.memory_space<semaphore_mem>> -> memref<1x!tpu.dma_semaphore, #tpu.memory_space<semaphore_mem>>
    %dma_wait3A_70 = tpu.memref_squeeze %dma_wait3A_69 : memref<1x!tpu.dma_semaphore, #tpu.memory_space<semaphore_mem>> -> memref<!tpu.dma_semaphore, #tpu.memory_space<semaphore_mem>>
    %dma_wait3A_71 = arith.constant 0 : i32
    %dma_wait3A_72 = tpu.memref_slice %arg4[%mul3A_2, %dma_wait3A_71] : memref<819200x64xf32, #tpu.memory_space<hbm>> -> memref<256x64xf32, #tpu.memory_space<hbm>>
    %dma_wait3A_73 = arith.constant 0 : i32
    %dma_wait3A_74 = arith.constant 0 : i32
    %dma_wait3A_75 = tpu.memref_slice %arg6[%dma_wait3A, %dma_wait3A_73, %dma_wait3A_74] : memref<4x256x64xf32, #tpu.memory_space<vmem>> -> memref<1x256x64xf32, #tpu.memory_space<vmem>>
    %dma_wait3A_76 = tpu.memref_squeeze %dma_wait3A_75 : memref<1x256x64xf32, #tpu.memory_space<vmem>> -> memref<256x64xf32, #tpu.memory_space<vmem>>
    tpu.wait_dma2 semaphore(%dma_wait3A_70 : memref<!tpu.dma_semaphore, #tpu.memory_space<semaphore_mem>>) src(%dma_wait3A_76 : memref<256x64xf32, #tpu.memory_space<vmem>>) dst(%dma_wait3A_72 : memref<256x64xf32, #tpu.memory_space<hbm>>)
    %dma_wait3A_77 = arith.constant 1 : i32
    %dma_wait3A_78 = arith.constant 1 : i32
    %dma_wait3A_79 = arith.constant 0 : i32
    %dma_wait3A_80 = arith.constant 0 : i32
    %dma_wait3A_81 = tpu.memref_slice %arg6[%dma_wait3A_77, %dma_wait3A_79, %dma_wait3A_80] : memref<4x256x64xf32, #tpu.memory_space<vmem>> -> memref<1x256x64xf32, #tpu.memory_space<vmem>>
    %dma_wait3A_82 = tpu.memref_squeeze %dma_wait3A_81 : memref<1x256x64xf32, #tpu.memory_space<vmem>> -> memref<256x64xf32, #tpu.memory_space<vmem>>
    %dma_wait3A_83 = arith.constant 0 : i32
    %dma_wait3A_84 = tpu.memref_slice %arg4[%mul3A_2, %dma_wait3A_83] : memref<819200x64xf32, #tpu.memory_space<hbm>> -> memref<256x64xf32, #tpu.memory_space<hbm>>
    %dma_wait3A_85 = tpu.memref_slice %arg9[%dma_wait3A_78] : memref<4x!tpu.dma_semaphore, #tpu.memory_space<semaphore_mem>> -> memref<1x!tpu.dma_semaphore, #tpu.memory_space<semaphore_mem>>
    %dma_wait3A_86 = tpu.memref_squeeze %dma_wait3A_85 : memref<1x!tpu.dma_semaphore, #tpu.memory_space<semaphore_mem>> -> memref<!tpu.dma_semaphore, #tpu.memory_space<semaphore_mem>>
    %dma_wait3A_87 = arith.constant 0 : i32
    %dma_wait3A_88 = tpu.memref_slice %arg4[%mul3A_2, %dma_wait3A_87] : memref<819200x64xf32, #tpu.memory_space<hbm>> -> memref<256x64xf32, #tpu.memory_space<hbm>>
    %dma_wait3A_89 = arith.constant 0 : i32
    %dma_wait3A_90 = arith.constant 0 : i32
    %dma_wait3A_91 = tpu.memref_slice %arg6[%dma_wait3A_77, %dma_wait3A_89, %dma_wait3A_90] : memref<4x256x64xf32, #tpu.memory_space<vmem>> -> memref<1x256x64xf32, #tpu.memory_space<vmem>>
    %dma_wait3A_92 = tpu.memref_squeeze %dma_wait3A_91 : memref<1x256x64xf32, #tpu.memory_space<vmem>> -> memref<256x64xf32, #tpu.memory_space<vmem>>
    tpu.wait_dma2 semaphore(%dma_wait3A_86 : memref<!tpu.dma_semaphore, #tpu.memory_space<semaphore_mem>>) src(%dma_wait3A_92 : memref<256x64xf32, #tpu.memory_space<vmem>>) dst(%dma_wait3A_88 : memref<256x64xf32, #tpu.memory_space<hbm>>)
    %dma_wait3A_93 = arith.constant 2 : i32
    %dma_wait3A_94 = arith.constant 2 : i32
    %dma_wait3A_95 = arith.constant 0 : i32
    %dma_wait3A_96 = arith.constant 0 : i32
    %dma_wait3A_97 = tpu.memref_slice %arg6[%dma_wait3A_93, %dma_wait3A_95, %dma_wait3A_96] : memref<4x256x64xf32, #tpu.memory_space<vmem>> -> memref<1x256x64xf32, #tpu.memory_space<vmem>>
    %dma_wait3A_98 = tpu.memref_squeeze %dma_wait3A_97 : memref<1x256x64xf32, #tpu.memory_space<vmem>> -> memref<256x64xf32, #tpu.memory_space<vmem>>
    %dma_wait3A_99 = arith.constant 0 : i32
    %dma_wait3A_100 = tpu.memref_slice %arg4[%mul3A_2, %dma_wait3A_99] : memref<819200x64xf32, #tpu.memory_space<hbm>> -> memref<256x64xf32, #tpu.memory_space<hbm>>
    %dma_wait3A_101 = tpu.memref_slice %arg9[%dma_wait3A_94] : memref<4x!tpu.dma_semaphore, #tpu.memory_space<semaphore_mem>> -> memref<1x!tpu.dma_semaphore, #tpu.memory_space<semaphore_mem>>
    %dma_wait3A_102 = tpu.memref_squeeze %dma_wait3A_101 : memref<1x!tpu.dma_semaphore, #tpu.memory_space<semaphore_mem>> -> memref<!tpu.dma_semaphore, #tpu.memory_space<semaphore_mem>>
    %dma_wait3A_103 = arith.constant 0 : i32
    %dma_wait3A_104 = tpu.memref_slice %arg4[%mul3A_2, %dma_wait3A_103] : memref<819200x64xf32, #tpu.memory_space<hbm>> -> memref<256x64xf32, #tpu.memory_space<hbm>>
    %dma_wait3A_105 = arith.constant 0 : i32
    %dma_wait3A_106 = arith.constant 0 : i32
    %dma_wait3A_107 = tpu.memref_slice %arg6[%dma_wait3A_93, %dma_wait3A_105, %dma_wait3A_106] : memref<4x256x64xf32, #tpu.memory_space<vmem>> -> memref<1x256x64xf32, #tpu.memory_space<vmem>>
    %dma_wait3A_108 = tpu.memref_squeeze %dma_wait3A_107 : memref<1x256x64xf32, #tpu.memory_space<vmem>> -> memref<256x64xf32, #tpu.memory_space<vmem>>
    tpu.wait_dma2 semaphore(%dma_wait3A_102 : memref<!tpu.dma_semaphore, #tpu.memory_space<semaphore_mem>>) src(%dma_wait3A_108 : memref<256x64xf32, #tpu.memory_space<vmem>>) dst(%dma_wait3A_104 : memref<256x64xf32, #tpu.memory_space<hbm>>)
    %dma_wait3A_109 = arith.constant 3 : i32
    %dma_wait3A_110 = arith.constant 3 : i32
    %dma_wait3A_111 = arith.constant 0 : i32
    %dma_wait3A_112 = arith.constant 0 : i32
    %dma_wait3A_113 = tpu.memref_slice %arg6[%dma_wait3A_109, %dma_wait3A_111, %dma_wait3A_112] : memref<4x256x64xf32, #tpu.memory_space<vmem>> -> memref<1x256x64xf32, #tpu.memory_space<vmem>>
    %dma_wait3A_114 = tpu.memref_squeeze %dma_wait3A_113 : memref<1x256x64xf32, #tpu.memory_space<vmem>> -> memref<256x64xf32, #tpu.memory_space<vmem>>
    %dma_wait3A_115 = arith.constant 0 : i32
    %dma_wait3A_116 = tpu.memref_slice %arg4[%mul3A_2, %dma_wait3A_115] : memref<819200x64xf32, #tpu.memory_space<hbm>> -> memref<256x64xf32, #tpu.memory_space<hbm>>
    %dma_wait3A_117 = tpu.memref_slice %arg9[%dma_wait3A_110] : memref<4x!tpu.dma_semaphore, #tpu.memory_space<semaphore_mem>> -> memref<1x!tpu.dma_semaphore, #tpu.memory_space<semaphore_mem>>
    %dma_wait3A_118 = tpu.memref_squeeze %dma_wait3A_117 : memref<1x!tpu.dma_semaphore, #tpu.memory_space<semaphore_mem>> -> memref<!tpu.dma_semaphore, #tpu.memory_space<semaphore_mem>>
    %dma_wait3A_119 = arith.constant 0 : i32
    %dma_wait3A_120 = tpu.memref_slice %arg4[%mul3A_2, %dma_wait3A_119] : memref<819200x64xf32, #tpu.memory_space<hbm>> -> memref<256x64xf32, #tpu.memory_space<hbm>>
    %dma_wait3A_121 = arith.constant 0 : i32
    %dma_wait3A_122 = arith.constant 0 : i32
    %dma_wait3A_123 = tpu.memref_slice %arg6[%dma_wait3A_109, %dma_wait3A_121, %dma_wait3A_122] : memref<4x256x64xf32, #tpu.memory_space<vmem>> -> memref<1x256x64xf32, #tpu.memory_space<vmem>>
    %dma_wait3A_124 = tpu.memref_squeeze %dma_wait3A_123 : memref<1x256x64xf32, #tpu.memory_space<vmem>> -> memref<256x64xf32, #tpu.memory_space<vmem>>
    tpu.wait_dma2 semaphore(%dma_wait3A_118 : memref<!tpu.dma_semaphore, #tpu.memory_space<semaphore_mem>>) src(%dma_wait3A_124 : memref<256x64xf32, #tpu.memory_space<vmem>>) dst(%dma_wait3A_120 : memref<256x64xf32, #tpu.memory_space<hbm>>)
    return
  }
}

</mosaic_0001>

<sc_bundles>
// kernel: kernel.3.cloned.1.call-start
scs
__scs_entry_jumppad:
0x0: {  	(pc) =	sbr.rel $0x88, $3  }
0x1: {  	(tag) =	ssettag $0x0;
	lr =	simm.s32 $0x1  }
0x2: {  	[smem:$0x3F9F] =	sst lr;
	_ =	strace $0xD0000000  }
0x3: {  	_ = 	snop  }
0x4: {  	_ = 	snop  }
0x5: {  	_ = 	snop  }
0x6: {  	_ = 	snop  }
0x7: {  	_ = 	snop  }
__scs_overlays_trampoline_lowered:
0x8: {  	[smem:$0x3FAE] =	sst s0  }
0x9: {  	[smem:$0x3FAF] =	sst s1  }
0xa: {  	[smem:$0x3FB0] =	sst s2  }
0xb: {  	[smem:$0x3FB1] =	sst s3  }
0xc: {  	[smem:$0x3FB2] =	sst s4  }
0xd: {  	[smem:$0x3FB3] =	sst s5  }
0xe: {  	[smem:$0x3FB4] =	sst s6  }
0xf: {  	[smem:$0x3FB5] =	sst s7  }
0x10: {  	[smem:$0x3FB6] =	sst s8  }
0x11: {  	[smem:$0x3FB7] =	sst s9;
	s0 =	simm.s32 @!p0 $0x0  }
0x12: {  	s1 =	sld [smem:$0x3F9D];
	s0 =	simm.s32 @p0 $0x1  }
0x13: {  	[smem:$0x3FB8] =	sst s0;
	s0 =	simm.s32 @!p1 $0x0  }
0x14: {  	s2 =	sld [smem:$0x3F9C];
	s0 =	simm.s32 @p1 $0x1  }
0x15: {  	[smem:$0x3FB9] =	sst s0;
	s0 =	simm.s32 @!p2 $0x0  }
0x16: {  	s3 =	sld [smem:$0x3FDB];
	s0 =	simm.s32 @p2 $0x1  }
0x17: {  	s4 =	simm.s32 $0x1BF5;
	[smem:$0x3FBB] =	sst s0  }
0x18: {  	s0 =	sld [smem:$0x3F9E];
	_ =	swait.ge [sflag:s4], $0x0  }
0x19: {  	s7 =	sld [smem:$0x3F9F]  }
0x1a: {  	s8 =	sadd.s32 $0xFFFFE003, lr  }
0x1b: {  	s9 =	sadd.s32 $0xFFFFFEF7, lr;
	s5 =	simm.s32 $0xFFFFFFFF;
	p2 =	slt.u32 s8, $0xFFFFF086  }
0x1c: {  	p1 =	slt.u32 s9, $0xF7A;
	s5 =	simm.s32 @!p2 $0x0  }
0x1d: {  	s5 =	simm.s32 @p1 $0x1;
	p0 =	seq.s32 s7, s2  }
0x1e: {  	s7 =	smul.u32 @!p0 $0xF7A, s2;
	p2 =	seq.s32 @!p0 s5, $0x0  }
0x1f: {  	s9 =	smul.u32 $0xF7A, s1;
	s8 =	simm.s32 @!p0 $0x1BF5;
	p2 =	por !p2, p0  }
0x20: {  	[sflag:s8] =	ssyncset.s32 @!p0 $0xFFFFF086;
	s6 =	sadd.s32 @!p0 s3, s7;
	s7 =	simm.s32 @!p0 $0x108  }
0x21: {  	s3 =	sadd.s32 s3, s9;
	s6 =	sadd.s32 @!p0 $0x88, s6;
	s7 =	simm.s32 @p2 $0x1082  }
0x22: {  	[simem:s7], [sflag:s8] =	dma.local @!p0 [hbm:s6], $0xF7A  }
0x23: {  	s9 =	sor.u32 $0xD0000000, s2;
	s6 =	simm.s32 $0x108;
	_ =	swait.ge @!p0 [sflag:s8], $0x0  }
0x24: {  	s3 =	sadd.s32 $0x88, s3;
	s6 =	simm.s32 @!p1 $0x1082;
	[sflag:s4] =	ssyncset.s32 $0xFFFFF086  }
0x25: {  	[simem:s6], [sflag:s4] =	dma.local [hbm:s3], $0xF7A  }
0x26: {  	[smem:$0x3F9F] =	sst s1;
	(tag) =	ssettag s2;
	_ =	strace s9  }
0x27: {  	s1 =	sld [smem:$0x3FAF]  }
0x28: {  	s2 =	sld [smem:$0x3FB0]  }
0x29: {  	s4 =	sld [smem:$0x3FB2]  }
0x2a: {  	p0 =	seq.s32 s5, $0x0;
	s5 =	sld [smem:$0x3FB3]  }
0x2b: {  	s6 =	sld [smem:$0x3FB4]  }
0x2c: {  	s7 =	sld [smem:$0x3FB5]  }
0x2d: {  	s3 =	simm.s32 $0x108;
	s8 =	sld [smem:$0x3FB6]  }
0x2e: {  	s3 =	simm.s32 @!p0 $0x1082;
	s9 =	sld [smem:$0x3FB7]  }
0x2f: {  	lr =	sadd.s32 s0, s3;
	s0 =	sld [smem:$0x3FAE]  }
0x30: {  	s3 =	sld [smem:$0x3FB1]  }
0x31: {  	[smem:$0x3FBA] =	sst s10  }
0x32: {  	s10 =	sld [smem:$0x3FB8];
	_ =	sdelay $0x3  }
0x33: {  	p0 =	seq.s32 s10, $0x1;
	s10 =	sld [smem:$0x3FBA];
	_ =	sdelay $0x3  }
0x34: {  	[smem:$0x3FBA] =	sst s10  }
0x35: {  	s10 =	sld [smem:$0x3FB9];
	_ =	sdelay $0x3  }
0x36: {  	p1 =	seq.s32 s10, $0x1;
	s10 =	sld [smem:$0x3FBA];
	_ =	sdelay $0x3  }
0x37: {  	[smem:$0x3FBA] =	sst s10  }
0x38: {  	s10 =	sld [smem:$0x3FBB]  }
0x39: {  	_ = 	snop;
	(pc) =	sbr.ind lr, $3  }
0x3a: {  	_ = 	snop  }
0x3b: {  	_ = 	snop  }
0x3c: {  	p2 =	seq.s32 s10, $0x1;
	s10 =	sld [smem:$0x3FBA]  }
0x3d: {  	_ =	shalt  }
0x3e: {  	_ =	shalt  }
0x3f: {  	_ =	shalt  }
0x40: {  	_ =	shalt  }
0x41: {  	_ =	shalt  }
0x42: {  	_ =	shalt  }
0x43: {  	_ =	shalt  }
0x44: {  	_ =	shalt  }
0x45: {  	_ =	shalt  }
0x46: {  	_ =	shalt  }
0x47: {  	_ =	shalt  }
0x48: {  	_ =	shalt  }
0x49: {  	_ =	shalt  }
0x4a: {  	_ =	shalt  }
0x4b: {  	_ =	shalt  }
0x4c: {  	_ =	shalt  }
0x4d: {  	_ =	shalt  }
0x4e: {  	_ =	shalt  }
0x4f: {  	_ =	shalt  }
0x50: {  	_ =	shalt  }
0x51: {  	_ =	shalt  }
0x52: {  	_ =	shalt  }
0x53: {  	_ =	shalt  }
0x54: {  	_ =	shalt  }
0x55: {  	_ =	shalt  }
0x56: {  	_ =	shalt  }
0x57: {  	_ =	shalt  }
0x58: {  	_ =	shalt  }
0x59: {  	_ =	shalt  }
0x5a: {  	_ =	shalt  }
0x5b: {  	_ =	shalt  }
0x5c: {  	_ =	shalt  }
0x5d: {  	_ =	shalt  }
0x5e: {  	_ =	shalt  }
0x5f: {  	_ =	shalt  }
0x60: {  	_ =	shalt  }
0x61: {  	_ =	shalt  }
0x62: {  	_ =	shalt  }
0x63: {  	_ =	shalt  }
0x64: {  	_ =	shalt  }
0x65: {  	_ =	shalt  }
0x66: {  	_ =	shalt  }
0x67: {  	_ =	shalt  }
0x68: {  	_ =	shalt  }
0x69: {  	_ =	shalt  }
0x6a: {  	_ =	shalt  }
0x6b: {  	_ =	shalt  }
0x6c: {  	_ =	shalt  }
0x6d: {  	_ =	shalt  }
0x6e: {  	_ =	shalt  }
0x6f: {  	_ =	shalt  }
0x70: {  	_ =	shalt  }
0x71: {  	_ =	shalt  }
0x72: {  	_ =	shalt  }
0x73: {  	_ =	shalt  }
0x74: {  	_ =	shalt  }
0x75: {  	_ =	shalt  }
0x76: {  	_ =	shalt  }
0x77: {  	_ =	shalt  }
0x78: {  	_ =	shalt  }
0x79: {  	_ =	shalt  }
0x7a: {  	_ =	shalt  }
0x7b: {  	_ =	shalt  }
0x7c: {  	_ =	shalt  }
0x7d: {  	_ =	shalt  }
0x7e: {  	_ =	shalt  }
0x7f: {  	_ =	shalt  }
0x80: {  	_ =	shalt  }
0x81: {  	_ =	shalt  }
0x82: {  	_ =	shalt  }
0x83: {  	_ =	shalt  }
0x84: {  	_ =	shalt  }
0x85: {  	_ =	shalt  }
0x86: {  	_ =	shalt  }
0x87: {  	_ =	shalt  }
.Lfunc_end0:
.L_simem_size_0:
called_computation.1_lowered:
.L_overlay_start_0:
0x88: {  	s2 =	sld [smem:$0x3FD9]  }
0x89: {  	s3 =	sld [smem:$0x3FFE];
	_ =	sdelay $0x1  }
0x8a: {  	s1 =	srdreg.scid  }
0x8b: {  	s0 =	sand.u32 $0x1, s1  }
0x8c: {  	s17 =	sshll.u32 s0, $0xA;
	s2 =	sadd.s32 s3, s2  }
0x8d: {  	s2 =	sadd.s32 s2, s17  }
0x8e: {  	[smem:$0x3FC6] =	sst s2  }
0x8f: {  	_ = 	snop  }
0x90: {  	s2 =	sld [smem:$0x3FC8]  }
0x91: {  	s18 =	sld [smem:$0x3FD0];
	(tm) =	ssettm $0x1  }
0x92: {  	s4 =	sld [smem:$0x3FFB];
	_ =	sdelay $0x3  }
0x93: {  	_ =	strace s4  }
0x94: {  	s4 =	sld [smem:$0x3FFC];
	_ =	sdelay $0x3  }
0x95: {  	_ =	strace s4  }
0x96: {  	s4 =	sld [smem:$0x3FFD];
	_ =	sdelay $0x3  }
0x97: {  	_ =	strace s4  }
0x98: {  	_ =	strace $0x8FFFFFFF  }
0x99: {  	s19 =	sld [smem:$0x3FDB];
	_ =	sdelay $0x1  }
0x9a: {  	s5 =	simm.s32 $_scs_section_size  }
0x9b: {  	s6 =	simm.s32 $_size__tile_overlayer_lowered;
	s7 =	simm.s32 $_tile_overlayer_lowered  }
0x9c: {  	s22 =	simm.s32 $0x1BFF;
	s21 =	sshll.u32 s7, $0x1;
	s4 =	sadd.s32 s5, s19  }
0x9d: {  	s8 =	simm.s32 $0x0;
	s20 =	sshll.u32 s6, $0x1;
	s6 =	sadd.s32 s21, s4  }
0x9e: {  	[timem:s8], [sflag:s22] =	dma.local [hbm:s6], s20  }
0x9f: {  	_ =	swait.ge [sflag:s22], s20  }
0xa0: {  	s5 =	ssub.s32 $0x0, s20;
	[sflag:s22] =	ssyncset.done $0x0  }
0xa1: {  	[sflag:s22] =	ssyncadd.s32 s5;
	_ =	sdelay $0x1  }
0xa2: {  	s23 =	simm.s32 $0x1B8B  }
0xa3: {  	_ =	swait.ge [sflag:s23], $0x1  }
0xa4: {  	[sflag:s23] =	ssyncset.done $0x0  }
0xa5: {  	s25 =	simm.s32 $0x1B8E;
	s24 =	sld [smem:$0x3FFE];
	[sflag:s23] =	ssyncadd.s32 $0xFFFFFFFF  }
0xa6: {  	s26 =	simm.s32 $execute0_lowered;
	[smem:$0x3FD2] =	sst s25  }
0xa7: {  	s6 =	sshll.u32 s26, $0x1;
	_ =	strace $0x80000046;
	[dreg:$0x1] =	wrdreg $0xFFFFFFFF  }
0xa8: {  	s28 =	simm.s32 $_size_execute0_lowered;
	s4 =	sadd.s32 s4, s6;
	[dreg:$0x0] =	wrdreg $0x0  }
0xa9: {  	s6 =	sshll.u32 s28, $0x1;
	[dreg:$0x2] =	wrdreg s4  }
0xaa: {  	[dreg:$0x3] =	wrdreg s6  }
0xab: {  	[dreg:$0x4] =	wrdreg $0xC0  }
0xac: {  	_ =	task [dreg:s8], $0x5FFFF  }
0xad: {  	[dreg:$0x1] =	wrdreg $0xFFFFFFFF  }
0xae: {  	[dreg:$0x0] =	wrdreg $0x60  }
0xaf: {  	[dreg:$0x2] =	wrdreg s24  }
0xb0: {  	[dreg:$0x3] =	wrdreg s2  }
0xb1: {  	[dreg:$0x4] =	wrdreg s18  }
0xb2: {  	[dreg:$0x5] =	wrdreg $0x9  }
0xb3: {  	_ =	task.clear_ibuf [dreg:s8], $0x6FFFF;
	_ =	strace $0x90000046  }
0xb4: {  	s29 =	simm.s32 $0x9;
	_ =	strace $0x80000048  }
0xb5: {  	_ =	swait.ge [sflag:s29], $0x1  }
0xb6: {  	[sflag:s29] =	ssyncadd.s32 $0xFFFFFFFF  }
0xb7: {  	_ =	strace $0x90000048  }
0xb8: {  	_ =	sfence  }
0xb9: {  	s30 =	sld [smem:$0x0];
	_ =	sdelay $0x2  }
0xba: {  	s31 =	sshll.u32 s1, $0xD;
	s1 =	sshrl.u32 s1, $0x2  }
0xbb: {  	s3 =	sand.u32 $0x4000, s31;
	s1 =	sadd.s32 s1, s30  }
0xbc: {  	s0 =	sor.u32 s3, s0;
	s1 =	sshll.u32 s1, $0x11  }
0xbd: {  	s0 =	sor.u32 s1, s0  }
0xbe: {  	s0 =	sadd.s32 $0x8F2B, s0  }
0xbf: {  	[sflag:s0] =	ssyncadd.remote.s32 $0x1  }
0xc0: {  	_ =	sfence.sel $0xFFFF  }
0xc1: {  	[dreg:$0x0] =	wrdreg $0xFFFFFFFF;
	(pc) =	sbr.abs _section_cstart, $3  }
0xc2: {  	[dreg:$0x1] =	wrdreg $0xFFFFFFFF  }
0xc3: {  	_ =	task.clear_ibuf [dreg:s8], $0x2FFFF;
	_ =	strace $0x9FFFFFFF  }
0xc4: {  	(tm) =	ssettm $0x7FFFFFFF  }
0xc5: {  	_ =	shalt  }
tec
execute0_lowered:
.L_overlay_start_1:
0x0: {  	(tag) =	ssettag $0x1  }
0x1: {  	s0 =	rddreg [dreg:$0x0]  }
0x2: {  	s2 =	rddreg [dreg:$0x1];
	s1 =	srdreg.scid  }
0x3: {  	s9 =	stileid.u32;
	s6 =	rddreg [dreg:$0x2]  }
0x4: {  	s3 =	simm.s32 $0x0;
	s14 =	simm.s32 $0x100;
	s26 =	simm.s32 $0x400  }
0x5: {  	s31 =	simm.s32 $0x8400;
	s28 =	simm.s32 $0xB;
	s29 =	simm.s32 $0xC  }
0x6: {  	s30 =	simm.s32 $0x0;
	s1 =	sand.u32 $0x1, s1;
	s7 =	smul.u32 $0x320000, s9  }
0x7: {  	s4 =	sshll.u32 s9, $0x1;
	[smem:$0x7FF] =	sst s3;
	s9 =	smul.u32 $0xC800, s9  }
0x8: {  	s4 =	sor.u32 s1, s4;
	_ =	strace $0x80000047;
	s16 =	smul.u32 $0x190000, s1  }
0x9: {  	s8 =	ssub.s32 $0x2, s1;
	s1 =	smul.u32 $0x6400, s1;
	[dreg:$0x8] =	wrdreg s26  }
0xa: {  	[dreg:$0x9] =	wrdreg s31;
	s5 =	smul.u32 $0x6400, s4;
	s10 =	sshrl.u32 s8, $0x1  }
0xb: {  	s4 =	sadd.s32 $0xF42C00, s0;
	s8 =	ssub.s32 s8, s10;
	s0 =	sadd.s32 s16, s7  }
0xc: {  	s1 =	sadd.s32 s1, s9;
	s16 =	simm.s32 $0x300;
	s5 =	sshrl.u32 s5, $0x3  }
0xd: {  	s19 =	smax.u32 s8, $0x1;
	s0 =	sshrl.u32 s0, $0x3;
	s20 =	sshll.u32 s1, $0x3  }
0xe: {  	s21 =	sadd.s32 $0x700, s1;
	s24 =	sadd.s32 $0x600, s1;
	s25 =	sadd.s32 $0x500, s1  }
0xf: {  	s13 =	sadd.s32 $0x400, s1;
	s5 =	sadd.s32 s2, s5;
	[dreg:$0xe] =	wrdreg s19  }
0x10: {  	s0 =	sadd.s32 s0, s6;
	s6 =	sadd.s32 s20, s6;
	s7 =	sshrl.u32 s21, $0x3  }
0x11: {  	s8 =	sshrl.u32 s25, $0x3;
	s19 =	simm.s32 $0x3;
	[dreg:$0xa] =	wrdreg s5  }
0x12: {  	s20 =	simm.s32 $0xC400;
	s17 =	sadd.s32 $0x20, s5;
	[dreg:$0x4] =	wrdreg s0  }
0x13: {  	s21 =	simm.s32 $0x5;
	s18 =	sadd.s32 $0x40, s5;
	[dreg:$0xb] =	wrdreg s17  }
0x14: {  	s5 =	sadd.s32 $0x60, s5;
	s22 =	sadd.s32 $0x1800, s6;
	[dreg:$0xc] =	wrdreg s18  }
0x15: {  	s7 =	sadd.s32 s7, s2;
	s23 =	sadd.s32 $0x1000, s6;
	[dreg:$0xd] =	wrdreg s5  }
0x16: {  	s0 =	sshrl.u32 s24, $0x3;
	s6 =	sadd.s32 $0x800, s6;
	[dreg:$0x5] =	wrdreg s22  }
0x17: {  	s12 =	sadd.s32 s8, s2;
	s24 =	simm.s32 $0x8;
	[dreg:$0x6] =	wrdreg s23  }
0x18: {  	s11 =	sadd.s32 s0, s2;
	[dreg:$0x7] =	wrdreg s6;
	s17 =	simm.s32 $0x1  }
0x19: {  	s18 =	simm.s32 $0x4400;
	s22 =	simm.s32 $0x6;
	s23 =	simm.s32 $0x7  }
.LBB2_1:
0x1a: {  	s0 =	rddreg [dreg:$0xa]  }
0x1b: {  	[tilespmem:s3], [sflag:$0x1] =	stream.linear.gather [hbm4b:s0+s3], $0x100, $0x38;
	[tilespmem:$0x10400] =	vst v63  }
0x1c: {  	s1 =	rddreg [dreg:$0xb]  }
0x1d: {  	[tilespmem:s14], [sflag:$0x2] =	stream.linear.gather [hbm4b:s1+s3], $0x100, $0x38;
	[tilespmem:$0x10400] =	vst v63  }
0x1e: {  	s5 =	rddreg [dreg:$0xc];
	s1 =	simm.s32 $0x200  }
0x1f: {  	[tilespmem:s1], [sflag:$0x3] =	stream.linear.gather [hbm4b:s5+s3], $0x100, $0x38;
	[tilespmem:$0x10400] =	vst v63  }
0x20: {  	s6 =	rddreg [dreg:$0xd]  }
0x21: {  	[tilespmem:s16], [sflag:$0x4] =	stream.linear.gather [hbm4b:s6+s3], $0x100, $0x38;
	[tilespmem:$0x10400] =	vst v63  }
0x22: {  	p0 =	por $0x1, $0x1;
	_ =	swait.ge [sflag:s17], $0x100  }
0x23: {  	s0 =	simm.s32 @p0 $0x0;
	s8 =	simm.s32 @p0 $0x2;
	[sflag:s17] =	ssyncset.done $0x0  }
0x24: {  	s1 =	simm.s32 @p0 $0x400;
	s6 =	simm.s32 @p0 $0x100;
	[sflag:s17] =	ssyncadd.s32 $0xFFFFFF00  }
0x25: {  	[tilespmem:s1], [sflag:$0x5] =	stream.indirect.gather @p0 [hbm4b:s4+s6], $0x40, s0, s6, $0xb8;
	[tilespmem:$0x10400] =	vst v63  }
0x26: {  	_ =	swait.ge @p0 [sflag:s8], $0x100  }
0x27: {  	[sflag:s8] =	ssyncset.done @p0 $0x0  }
0x28: {  	s0 =	simm.s32 @!p0 $0x9;
	[sflag:s8] =	ssyncadd.s32 @p0 $0xFFFFFF00  }
0x29: {  	_ =	swait.ge @!p0 [sflag:s0], $0x4000  }
0x2a: {  	s10 =	simm.s32 @!p0 $0x0;
	s1 =	simm.s32 @!p0 $0x400;
	[sflag:s0] =	ssyncset.done @!p0 $0x0  }
0x2b: {  	s8 =	simm.s32 @!p0 $0x100;
	[sflag:s0] =	ssyncadd.s32 @!p0 $0xFFFFC000;
	s0 =	simm.s32 @!p0 $0x2  }
0x2c: {  	[tilespmem:s1], [sflag:$0x5] =	stream.indirect.gather @!p0 [hbm4b:s4+s8], $0x40, s10, s8, $0xb8;
	[tilespmem:$0x10400] =	vst v63  }
0x2d: {  	_ =	swait.ge @!p0 [sflag:s0], $0x100  }
0x2e: {  	[sflag:s0] =	ssyncset.done @!p0 $0x0  }
0x2f: {  	s1 =	simm.s32 @!p0 $0xA;
	[sflag:s0] =	ssyncadd.s32 @!p0 $0xFFFFFF00  }
0x30: {  	_ =	swait.ge @!p0 [sflag:s1], $0x4000  }
0x31: {  	[sflag:s1] =	ssyncset.done @!p0 $0x0  }
0x32: {  	[sflag:s1] =	ssyncadd.s32 @!p0 $0xFFFFC000  }
0x33: {  	[tilespmem:s18], [sflag:$0x6] =	stream.indirect.gather [hbm4b:s4+s14], $0x40, s14, s14, $0xb8;
	[tilespmem:$0x10400] =	vst v63  }
0x34: {  	_ =	swait.ge [sflag:s19], $0x100  }
0x35: {  	s10 =	simm.s32 @p0 $0x4;
	[sflag:s19] =	ssyncset.done $0x0  }
0x36: {  	s0 =	simm.s32 @p0 $0x200;
	s1 =	simm.s32 @p0 $0x8400;
	[sflag:s19] =	ssyncadd.s32 $0xFFFFFF00  }
0x37: {  	[tilespmem:s1], [sflag:$0x7] =	stream.indirect.gather @p0 [hbm4b:s4+s6], $0x40, s0, s6, $0xb8;
	[tilespmem:$0x10400] =	vst v63  }
0x38: {  	_ =	swait.ge @p0 [sflag:s10], $0x100  }
0x39: {  	[sflag:s10] =	ssyncset.done @p0 $0x0  }
0x3a: {  	s0 =	simm.s32 @!p0 $0xB;
	[sflag:s10] =	ssyncadd.s32 @p0 $0xFFFFFF00  }
0x3b: {  	_ =	swait.ge @!p0 [sflag:s0], $0x4000  }
0x3c: {  	s1 =	simm.s32 @!p0 $0x200;
	[sflag:s0] =	ssyncset.done @!p0 $0x0  }
0x3d: {  	s6 =	simm.s32 @!p0 $0x8400;
	[sflag:s0] =	ssyncadd.s32 @!p0 $0xFFFFC000;
	s0 =	simm.s32 @!p0 $0x4  }
0x3e: {  	[tilespmem:s6], [sflag:$0x7] =	stream.indirect.gather @!p0 [hbm4b:s4+s8], $0x40, s1, s8, $0xb8;
	[tilespmem:$0x10400] =	vst v63  }
0x3f: {  	_ =	swait.ge @!p0 [sflag:s0], $0x100  }
0x40: {  	[sflag:s0] =	ssyncset.done @!p0 $0x0  }
0x41: {  	s1 =	simm.s32 @!p0 $0xC;
	[sflag:s0] =	ssyncadd.s32 @!p0 $0xFFFFFF00  }
0x42: {  	_ =	swait.ge @!p0 [sflag:s1], $0x4000  }
0x43: {  	[sflag:s1] =	ssyncset.done @!p0 $0x0  }
0x44: {  	[sflag:s1] =	ssyncadd.s32 @!p0 $0xFFFFC000  }
0x45: {  	[tilespmem:s20], [sflag:$0x8] =	stream.indirect.gather [hbm4b:s4+s14], $0x40, s16, s14, $0xb8;
	[tilespmem:$0x10400] =	vst v63  }
0x46: {  	p0 =	por $0x0, $0x0;
	_ =	swait.ge [sflag:s21], $0x4000  }
0x47: {  	s0 =	sshrl.u32 @!p0 s13, $0x3;
	s1 =	simm.s32 @!p0 $0x0;
	[sflag:s21] =	ssyncset.done $0x0  }
0x48: {  	s0 =	sadd.s32 @!p0 s2, s0;
	s8 =	rddreg [dreg:$0x4];
	[sflag:s21] =	ssyncadd.s32 $0xFFFFC000  }
0x49: {  	[tilespmem:s1], [sflag:$0x1] =	stream.linear.gather @!p0 [hbm4b:s0+s1], $0x100, $0x38;
	[tilespmem:$0x10400] =	vst v63  }
0x4a: {  	s9 =	rddreg [dreg:$0x8];
	s10 =	sadd.s32 $0x0, s8  }
0x4b: {  	[hbm4b:s10+s3] =	stream.linear.scatter [tilespmem:s9], [sflag:$0x9], $0x4000, $0x38;
	[tilespmem:$0x10400] =	vst v63  }
0x4c: {  	_ =	swait.ge [sflag:s22], $0x4000  }
0x4d: {  	[sflag:s22] =	ssyncset.done $0x0  }
0x4e: {  	s6 =	simm.s32 @!p0 $0x100;
	s15 =	rddreg [dreg:$0x7];
	[sflag:s22] =	ssyncadd.s32 $0xFFFFC000  }
0x4f: {  	[tilespmem:s6], [sflag:$0x2] =	stream.linear.gather @!p0 [hbm4b:s12+s1], $0x100, $0x38;
	[tilespmem:$0x10400] =	vst v63  }
0x50: {  	s0 =	sadd.s32 $0x0, s15  }
0x51: {  	[hbm4b:s0+s3] =	stream.linear.scatter [tilespmem:s18], [sflag:$0xA], $0x4000, $0x38;
	[tilespmem:$0x10400] =	vst v63  }
0x52: {  	_ =	swait.ge [sflag:s23], $0x4000  }
0x53: {  	[sflag:s23] =	ssyncset.done $0x0  }
0x54: {  	s6 =	simm.s32 @!p0 $0x200;
	s25 =	rddreg [dreg:$0x6];
	[sflag:s23] =	ssyncadd.s32 $0xFFFFC000  }
0x55: {  	[tilespmem:s6], [sflag:$0x3] =	stream.linear.gather @!p0 [hbm4b:s11+s1], $0x100, $0x38;
	[tilespmem:$0x10400] =	vst v63  }
0x56: {  	s26 =	rddreg [dreg:$0x9];
	s0 =	sadd.s32 $0x0, s25  }
0x57: {  	[hbm4b:s0+s3] =	stream.linear.scatter [tilespmem:s26], [sflag:$0xB], $0x4000, $0x38;
	[tilespmem:$0x10400] =	vst v63  }
0x58: {  	s31 =	simm.s32 $0x2000;
	_ =	swait.ge [sflag:s24], $0x4000  }
0x59: {  	s10 =	smov.u32 s7;
	s15 =	sadd.s32 $0x80, s12;
	[sflag:s24] =	ssyncset.done $0x0  }
0x5a: {  	s6 =	simm.s32 $0x0;
	s0 =	simm.s32 @!p0 $0x300;
	[sflag:s24] =	ssyncadd.s32 $0xFFFFC000  }
0x5b: {  	[tilespmem:s0], [sflag:$0x4] =	stream.linear.gather @!p0 [hbm4b:s7+s1], $0x100, $0x38;
	[tilespmem:$0x10400] =	vst v63  }
0x5c: {  	s8 =	rddreg [dreg:$0x5];
	s1 =	sadd.s32 $0x400, s13;
	s0 =	sadd.s32 $0x80, s11  }
.LBB2_2:
0x5d: {  	s8 =	sadd.s32 s6, s8;
	s6 =	smov.u32 s31  }
0x5e: {  	[hbm4b:s8+s3] =	stream.linear.scatter [tilespmem:s20], [sflag:$0xC], $0x4000, $0x38;
	[tilespmem:$0x10400] =	vst v63  }
0x5f: {  	p1 =	seq.s32 s6, $0x0;
	_ =	swait.ge [sflag:s17], $0x100  }
0x60: {  	s8 =	simm.s32 @p1 $0x0;
	s9 =	simm.s32 @p1 $0x400;
	[sflag:s17] =	ssyncset.done $0x0  }
0x61: {  	s5 =	simm.s32 @p1 $0x100;
	s25 =	simm.s32 @p1 $0x2;
	[sflag:s17] =	ssyncadd.s32 $0xFFFFFF00  }
0x62: {  	[tilespmem:s9], [sflag:$0x5] =	stream.indirect.gather @p1 [hbm4b:s4+s5], $0x40, s8, s5, $0xb8;
	[tilespmem:$0x10400] =	vst v63  }
0x63: {  	_ =	swait.ge @p1 [sflag:s25], $0x100  }
0x64: {  	[sflag:s25] =	ssyncset.done @p1 $0x0  }
0x65: {  	s8 =	simm.s32 @!p1 $0x9;
	[sflag:s25] =	ssyncadd.s32 @p1 $0xFFFFFF00  }
0x66: {  	_ =	swait.ge @!p1 [sflag:s8], $0x4000  }
0x67: {  	s26 =	simm.s32 @!p1 $0x0;
	s9 =	simm.s32 @!p1 $0x400;
	[sflag:s8] =	ssyncset.done @!p1 $0x0  }
0x68: {  	s25 =	simm.s32 @!p1 $0x100;
	[sflag:s8] =	ssyncadd.s32 @!p1 $0xFFFFC000;
	s8 =	simm.s32 @!p1 $0x2  }
0x69: {  	[tilespmem:s9], [sflag:$0x5] =	stream.indirect.gather @!p1 [hbm4b:s4+s25], $0x40, s26, s25, $0xb8;
	[tilespmem:$0x10400] =	vst v63  }
0x6a: {  	_ =	swait.ge @!p1 [sflag:s8], $0x100  }
0x6b: {  	[sflag:s8] =	ssyncset.done @!p1 $0x0  }
0x6c: {  	s9 =	simm.s32 @!p1 $0xA;
	[sflag:s8] =	ssyncadd.s32 @!p1 $0xFFFFFF00  }
0x6d: {  	_ =	swait.ge @!p1 [sflag:s9], $0x4000  }
0x6e: {  	[sflag:s9] =	ssyncset.done @!p1 $0x0  }
0x6f: {  	[sflag:s9] =	ssyncadd.s32 @!p1 $0xFFFFC000  }
0x70: {  	[tilespmem:s18], [sflag:$0x6] =	stream.indirect.gather [hbm4b:s4+s14], $0x40, s14, s14, $0xb8;
	[tilespmem:$0x10400] =	vst v63  }
0x71: {  	_ =	swait.ge [sflag:s19], $0x100  }
0x72: {  	s26 =	simm.s32 @p1 $0x4;
	[sflag:s19] =	ssyncset.done $0x0  }
0x73: {  	s8 =	simm.s32 @p1 $0x200;
	s9 =	simm.s32 @p1 $0x8400;
	[sflag:s19] =	ssyncadd.s32 $0xFFFFFF00  }
0x74: {  	[tilespmem:s9], [sflag:$0x7] =	stream.indirect.gather @p1 [hbm4b:s4+s5], $0x40, s8, s5, $0xb8;
	[tilespmem:$0x10400] =	vst v63  }
0x75: {  	_ =	swait.ge @p1 [sflag:s26], $0x100  }
0x76: {  	[sflag:s26] =	ssyncset.done @p1 $0x0  }
0x77: {  	s5 =	simm.s32 @!p1 $0xB;
	[sflag:s26] =	ssyncadd.s32 @p1 $0xFFFFFF00  }
0x78: {  	_ =	swait.ge @!p1 [sflag:s5], $0x4000  }
0x79: {  	s8 =	simm.s32 @!p1 $0x200;
	[sflag:s5] =	ssyncset.done @!p1 $0x0  }
0x7a: {  	s9 =	simm.s32 @!p1 $0x8400;
	[sflag:s5] =	ssyncadd.s32 @!p1 $0xFFFFC000;
	s5 =	simm.s32 @!p1 $0x4  }
0x7b: {  	[tilespmem:s9], [sflag:$0x7] =	stream.indirect.gather @!p1 [hbm4b:s4+s25], $0x40, s8, s25, $0xb8;
	[tilespmem:$0x10400] =	vst v63  }
0x7c: {  	_ =	swait.ge @!p1 [sflag:s5], $0x100  }
0x7d: {  	[sflag:s5] =	ssyncset.done @!p1 $0x0  }
0x7e: {  	s8 =	simm.s32 @!p1 $0xC;
	[sflag:s5] =	ssyncadd.s32 @!p1 $0xFFFFFF00  }
0x7f: {  	_ =	swait.ge @!p1 [sflag:s8], $0x4000  }
0x80: {  	[sflag:s8] =	ssyncset.done @!p1 $0x0  }
0x81: {  	[sflag:s8] =	ssyncadd.s32 @!p1 $0xFFFFC000  }
0x82: {  	[tilespmem:s20], [sflag:$0x8] =	stream.indirect.gather [hbm4b:s4+s14], $0x40, s16, s14, $0xb8;
	[tilespmem:$0x10400] =	vst v63  }
0x83: {  	p1 =	seq.s32 s6, $0x30000;
	_ =	swait.ge [sflag:s21], $0x4000  }
0x84: {  	s5 =	sshrl.u32 @!p1 s1, $0x3;
	s9 =	simm.s32 @!p1 $0x0;
	[sflag:s21] =	ssyncset.done $0x0  }
0x85: {  	s5 =	sadd.s32 @!p1 s2, s5;
	s25 =	rddreg [dreg:$0x4];
	[sflag:s21] =	ssyncadd.s32 $0xFFFFC000  }
0x86: {  	[tilespmem:s9], [sflag:$0x1] =	stream.linear.gather @!p1 [hbm4b:s5+s9], $0x100, $0x38;
	[tilespmem:$0x10400] =	vst v63  }
0x87: {  	s26 =	rddreg [dreg:$0x8];
	s8 =	sadd.s32 s6, s25  }
0x88: {  	[hbm4b:s8+s3] =	stream.linear.scatter [tilespmem:s26], [sflag:$0x9], $0x4000, $0x38;
	[tilespmem:$0x10400] =	vst v63  }
0x89: {  	_ =	swait.ge [sflag:s22], $0x4000  }
0x8a: {  	[sflag:s22] =	ssyncset.done $0x0  }
0x8b: {  	s5 =	simm.s32 @!p1 $0x100;
	s26 =	rddreg [dreg:$0x7];
	[sflag:s22] =	ssyncadd.s32 $0xFFFFC000  }
0x8c: {  	[tilespmem:s5], [sflag:$0x2] =	stream.linear.gather @!p1 [hbm4b:s15+s9], $0x100, $0x38;
	[tilespmem:$0x10400] =	vst v63  }
0x8d: {  	s25 =	sadd.s32 s6, s26  }
0x8e: {  	[hbm4b:s25+s3] =	stream.linear.scatter [tilespmem:s18], [sflag:$0xA], $0x4000, $0x38;
	[tilespmem:$0x10400] =	vst v63  }
0x8f: {  	_ =	swait.ge [sflag:s23], $0x4000  }
0x90: {  	s31 =	sadd.s32 $0x2000, s31;
	[sflag:s23] =	ssyncset.done $0x0  }
0x91: {  	s5 =	simm.s32 @!p1 $0x200;
	s26 =	rddreg [dreg:$0x6];
	[sflag:s23] =	ssyncadd.s32 $0xFFFFC000  }
0x92: {  	[tilespmem:s5], [sflag:$0x3] =	stream.linear.gather @!p1 [hbm4b:s0+s9], $0x100, $0x38;
	[tilespmem:$0x10400] =	vst v63  }
0x93: {  	p0 =	sne.s32 s31, $0x32000;
	s25 =	rddreg [dreg:$0x9];
	s26 =	sadd.s32 s6, s26  }
0x94: {  	[hbm4b:s26+s3] =	stream.linear.scatter [tilespmem:s25], [sflag:$0xB], $0x4000, $0x38;
	[tilespmem:$0x10400] =	vst v63  }
.Ltmp0:
0x95: {  	_ = 	snop;
	(pc) =	sbr.rel @p0 .LBB2_2-.Ltmp0, $4  }
0x96: {  	s10 =	sadd.s32 $0x80, s10;
	s1 =	sadd.s32 $0x400, s1;
	_ =	swait.ge [sflag:s24], $0x4000  }
0x97: {  	s15 =	sadd.s32 $0x80, s15;
	s5 =	simm.s32 @!p1 $0x300;
	[sflag:s24] =	ssyncset.done $0x0  }
0x98: {  	s0 =	sadd.s32 $0x80, s0;
	s8 =	rddreg [dreg:$0x5];
	[sflag:s24] =	ssyncadd.s32 $0xFFFFC000  }
0x99: {  	[tilespmem:s5], [sflag:$0x4] =	stream.linear.gather @!p1 [hbm4b:s10+s9], $0x100, $0x38;
	[tilespmem:$0x10400] =	vst v63  }
0x9a: {  	s0 =	sadd.s32 s6, s8;
	s25 =	simm.s32 $0x9  }
0x9b: {  	[hbm4b:s0+s3] =	stream.linear.scatter [tilespmem:s20], [sflag:$0xC], $0x4000, $0x38;
	[tilespmem:$0x10400] =	vst v63  }
0x9c: {  	_ =	swait.ge [sflag:s25], $0x4000  }
0x9d: {  	[sflag:s25] =	ssyncset.done $0x0  }
0x9e: {  	s26 =	simm.s32 $0xA;
	[sflag:s25] =	ssyncadd.s32 $0xFFFFC000  }
0x9f: {  	_ =	swait.ge [sflag:s26], $0x4000  }
0xa0: {  	[sflag:s26] =	ssyncset.done $0x0  }
0xa1: {  	[sflag:s26] =	ssyncadd.s32 $0xFFFFC000  }
0xa2: {  	_ =	swait.ge [sflag:s28], $0x4000  }
0xa3: {  	[sflag:s28] =	ssyncset.done $0x0  }
0xa4: {  	[sflag:s28] =	ssyncadd.s32 $0xFFFFC000  }
0xa5: {  	_ =	swait.ge [sflag:s29], $0x4000  }
0xa6: {  	s30 =	sadd.s32 $0x1, s30;
	s31 =	rddreg [dreg:$0xe]  }
0xa7: {  	p0 =	sne.s32 s30, s31  }
.Ltmp1:
0xa8: {  	_ = 	snop;
	(pc) =	sbr.rel @p0 .LBB2_1-.Ltmp1, $3  }
0xa9: {  	_ =	sdelay $0x1  }
0xaa: {  	[sflag:s29] =	ssyncset.done $0x0  }
0xab: {  	[sflag:s29] =	ssyncadd.s32 $0xFFFFC000  }
0xac: {  	_ =	sfence.sel $0x180000  }
0xad: {  	[bflag:$0x0] =	sbarrier.arrive $0xFFFF  }
0xae: {  	_ =	strace $0x90000047  }
0xaf: {  	s0 =	stileid.u32;
	[bflag:$0x2] =	sbarrier.arrive $0xFFFF  }
0xb0: {  	p0 =	sne.s32 s0, $0x0;
	s0 =	rddreg [dreg:$0x3]  }
0xb1: {  	s0 =	sadd.s32 @!p0 $0x100000, s0  }
0xb2: {  	[sflag:s0] =	ssyncadd.tile.s32 @!p0 $0x1;
	_ =	shalt  }
.Lfunc_end2:
_tile_overlayer_lowered:
.L_overlay_start_2:
0xb3: {  	(tag) =	ssettag $0x2  }
0xb4: {  	s0 =	rddreg [dreg:$0x0];
	s2 =	stileid.u32  }
0xb5: {  	s1 =	rddreg [dreg:$0x1];
	p0 =	sne.s32 s2, $0x0  }
0xb6: {  	s3 =	rddreg [dreg:$0x2];
	[bflag:$0x3] =	sbarrier.arrive $0xFFFF;
	s2 =	simm.s32 @!p0 $0x1C0D  }
0xb7: {  	[timem:s3], [sflag:s2] =	dma.local @!p0 [hbm:s0], s1  }
0xb8: {  	s0 =	simm.s32 @!p0 $0xD  }
0xb9: {  	_ =	swait.ge @!p0 [sflag:s0], s1  }
0xba: {  	s1 =	ssub.s32 @!p0 $0x0, s1;
	[sflag:s0] =	ssyncset.done @!p0 $0x0  }
0xbb: {  	[sflag:s0] =	ssyncadd.s32 @!p0 s1  }
0xbc: {  	[bflag:$0x3] =	sbarrier.arrive $0xFFFF  }
0xbd: {  	_ =	shalt  }

// kernel: sparse-core-data-format-call.cloned.1.call-start
scs
called_computation_lowered:
.L_overlay_start_0:
0x0: {  	s2 =	sld [smem:$0x3FD9]  }
0x1: {  	s3 =	sld [smem:$0x3FFE];
	_ =	sdelay $0x1  }
0x2: {  	s1 =	srdreg.scid  }
0x3: {  	s0 =	sand.u32 $0x1, s1  }
0x4: {  	s18 =	sshll.u32 s0, $0xA;
	s2 =	sadd.s32 s3, s2  }
0x5: {  	s2 =	sadd.s32 s2, s18  }
0x6: {  	[smem:$0x3FC6] =	sst s2  }
0x7: {  	_ = 	snop  }
0x8: {  	s2 =	sld [smem:$0x3FD0];
	(tm) =	ssettm $0x1  }
0x9: {  	s19 =	sld [smem:$0x3FFB];
	_ =	sdelay $0x3  }
0xa: {  	_ =	strace s19  }
0xb: {  	s3 =	sld [smem:$0x3FFC];
	_ =	sdelay $0x3  }
0xc: {  	_ =	strace s3  }
0xd: {  	s3 =	sld [smem:$0x3FFD];
	_ =	sdelay $0x3  }
0xe: {  	_ =	strace s3  }
0xf: {  	_ =	strace $0x8FFFFFFF  }
0x10: {  	s20 =	sld [smem:$0x3FDB];
	_ =	sdelay $0x1  }
0x11: {  	s4 =	simm.s32 $_scs_section_size  }
0x12: {  	s5 =	simm.s32 $_size__tile_overlayer_lowered;
	s6 =	simm.s32 $_tile_overlayer_lowered  }
0x13: {  	s23 =	simm.s32 $0x1BFF;
	s22 =	sshll.u32 s6, $0x1;
	s3 =	sadd.s32 s4, s20  }
0x14: {  	s7 =	simm.s32 $0x0;
	s21 =	sshll.u32 s5, $0x1;
	s5 =	sadd.s32 s22, s3  }
0x15: {  	[timem:s7], [sflag:s23] =	dma.local [hbm:s5], s21  }
0x16: {  	_ =	swait.ge [sflag:s23], s21  }
0x17: {  	s4 =	ssub.s32 $0x0, s21;
	[sflag:s23] =	ssyncset.done $0x0  }
0x18: {  	[sflag:s23] =	ssyncadd.s32 s4;
	_ =	sdelay $0x1  }
0x19: {  	s24 =	simm.s32 $0x1B8B  }
0x1a: {  	_ =	swait.ge [sflag:s24], $0x1  }
0x1b: {  	[sflag:s24] =	ssyncset.done $0x0  }
0x1c: {  	s26 =	simm.s32 $0x1B8E;
	s25 =	sld [smem:$0x3FFE];
	[sflag:s24] =	ssyncadd.s32 $0xFFFFFFFF  }
0x1d: {  	s27 =	simm.s32 $execute0_lowered;
	[smem:$0x3FD2] =	sst s26  }
0x1e: {  	s5 =	sshll.u32 s27, $0x1;
	_ =	strace $0x80000049;
	[dreg:$0x1] =	wrdreg $0xFFFFFFFF  }
0x1f: {  	s28 =	simm.s32 $_size_execute0_lowered;
	s3 =	sadd.s32 s3, s5;
	[dreg:$0x0] =	wrdreg $0x0  }
0x20: {  	s5 =	sshll.u32 s28, $0x1;
	[dreg:$0x2] =	wrdreg s3  }
0x21: {  	[dreg:$0x3] =	wrdreg s5  }
0x22: {  	[dreg:$0x4] =	wrdreg $0xC0  }
0x23: {  	_ =	task [dreg:s7], $0x5FFFF  }
0x24: {  	[dreg:$0x1] =	wrdreg $0xFFFFFFFF  }
0x25: {  	[dreg:$0x0] =	wrdreg $0x60  }
0x26: {  	[dreg:$0x2] =	wrdreg s25  }
0x27: {  	[dreg:$0x3] =	wrdreg s2  }
0x28: {  	[dreg:$0x4] =	wrdreg $0x9  }
0x29: {  	_ =	task.clear_ibuf [dreg:s7], $0x5FFFF;
	_ =	strace $0x90000049  }
0x2a: {  	s29 =	simm.s32 $0x9;
	_ =	strace $0x8000004B  }
0x2b: {  	_ =	swait.ge [sflag:s29], $0x1  }
0x2c: {  	[sflag:s29] =	ssyncadd.s32 $0xFFFFFFFF  }
0x2d: {  	_ =	strace $0x9000004B  }
0x2e: {  	_ =	sfence  }
0x2f: {  	s30 =	sld [smem:$0x0];
	_ =	sdelay $0x2  }
0x30: {  	s31 =	sshll.u32 s1, $0xD;
	s1 =	sshrl.u32 s1, $0x2  }
0x31: {  	s3 =	sand.u32 $0x4000, s31;
	s1 =	sadd.s32 s1, s30  }
0x32: {  	s0 =	sor.u32 s3, s0;
	s1 =	sshll.u32 s1, $0x11  }
0x33: {  	s0 =	sor.u32 s1, s0  }
0x34: {  	s0 =	sadd.s32 $0x8F2B, s0  }
0x35: {  	[sflag:s0] =	ssyncadd.remote.s32 $0x1  }
0x36: {  	_ =	sfence.sel $0xFFFF  }
0x37: {  	[dreg:$0x0] =	wrdreg $0xFFFFFFFF;
	(pc) =	sbr.abs _section_cstart, $3  }
0x38: {  	[dreg:$0x1] =	wrdreg $0xFFFFFFFF  }
0x39: {  	_ =	task.clear_ibuf [dreg:s7], $0x2FFFF;
	_ =	strace $0x9FFFFFFF  }
0x3a: {  	(tm) =	ssettm $0x7FFFFFFF  }
0x3b: {  	_ =	shalt  }
tec
execute0_lowered:
.L_overlay_start_1:
0x0: {  	(tag) =	ssettag $0x1  }
0x1: {  	s0 =	srdreg.scid  }
0x2: {  	s1 =	sshll.u32 s0, $0x4  }
0x3: {  	s4 =	rddreg [dreg:$0x0];
	s0 =	stileid.u32;
	s1 =	sand.u32 $0x10, s1  }
0x4: {  	s2 =	rddreg [dreg:$0x1];
	s7 =	simm.s32 $0x1;
	s1 =	sor.u32 s0, s1  }
0x5: {  	s8 =	simm.s32 $0x2;
	s11 =	simm.s32 $0x0;
	s3 =	sshll.u32 s1, $0x7  }
0x6: {  	s10 =	simm.s32 $0x0;
	s4 =	sadd.s32 $0x800, s4;
	s6 =	ssub.s32 $0xC8000, s3  }
.Ltmp0:
0x7: {  	s1 =	rddreg [dreg:$0x2];
	s5 =	sand.u32 $0xF80, s6;
	(pc) =	sbr.rel .LBB1_1-.Ltmp0, $4  }
0x8: {  	_ =	strace $0x8000004A;
	s9 =	smov.u32 s3;
	p0 =	sne.s32 s5, $0x0  }
0x9: {  	s6 =	sshrl.u32 s6, $0xC;
	s5 =	simm.s32 $0x1;
	s7 =	simm.s32 @!p0 $0x0  }
0xa: {  	[sflag:s5] =	ssyncpa.u1 $0x0;
	p0 =	por $0x0, $0x0;
	s6 =	sadd.s32 s7, s6  }
0xb: {  	[sflag:s8] =	ssyncpa.u1 $0x0;
	s8 =	simm.s32 $0x640000;
	s7 =	sadd.s32 $0x1, s6  }
.LBB1_4:
0xc: {  	s14 =	sshll.u32 s11, $0x3  }
0xd: {  	s30 =	sand.u32 $0x7F, s11;
	s15 =	sand.u32 $0xFFFFFC00, s14  }
0xe: {  	s11 =	sor.u32 s30, s15  }
0xf: {  	s15 =	smulhi.u32 $0x51EB851F, s11  }
0x10: {  	s14 =	smulhi.u32 $0x51EB851F, s14  }
0x11: {  	s15 =	sshrl.u32 s15, $0x12  }
0x12: {  	s14 =	sshrl.u32 s14, $0x12;
	s15 =	smul.u32 $0xC8000, s15  }
0x13: {  	s14 =	sand.u32 $0x3F, s14  }
0x14: {  	s14 =	smul.u32 $0x19000, s14;
	s11 =	ssub.s32 s11, s15  }
0x15: {  	[tilespmem:s13+$0x810 ss:$0x81] =	vst.msk $0xffff, v2;
	s15 =	sand.u32 $0x7, s11  }
0x16: {  	[tilespmem:s13+$0x1020 ss:$0x81] =	vst.msk $0xffff, v0;
	s14 =	sadd.s32 s2, s14;
	s11 =	sshrl.u32 s11, $0x3;
	s15 =	sshll.u32 s15, $0x12  }
0x17: {  	[tilespmem:s13+$0x0 ss:$0x81] =	vst.msk $0xffff, v1;
	s11 =	sadd.s32 s11, s14;
	s31 =	sor.u32 $0x400, s15  }
0x18: {  	[hbm4b:s11+s31] =	stream.strided.scatter [tilespmem:s12], [sflag:$0x2], $0x2000, s8, s31, $0x20;
	[tilespmem:$0x8080] =	vst v63  }
.LBB1_5:
0x19: {  	s13 =	sadd.s32 $0x1000, s9  }
0x1a: {  	p2 =	sgt.s32 s13, $0xC7FFF  }
0x1b: {  	s13 =	smov.u32 @p2 s3;
	p2 =	sne.s32 s10, s7  }
.Ltmp1:
0x1c: {  	p1 =	slt.u32 s10, $0x2;
	(pc) =	sbr.rel @!p2 .LBB1_6-.Ltmp1, $4  }
0x1d: {  	s12 =	simm.s32 @!p1 $0x2  }
0x1e: {  	s14 =	sadd.s32 $0x1, s10;
	_ =	swait.ge @!p1 [sflag:s12], $0x2000  }
0x1f: {  	s11 =	smov.u32 s9;
	p0 =	por !p0, !p0;
	[sflag:s12] =	ssyncset.done @!p1 $0x0  }
0x20: {  	s10 =	smov.u32 s14;
	s9 =	smov.u32 s13;
	[sflag:s12] =	ssyncadd.s32 @!p1 $0xFFFFE000  }
.LBB1_1:
0x21: {  	p1 =	sge.u32 s10, s6  }
0x22: {  	s12 =	sand.u32 @!p1 $0x1FFFFFF, s9  }
0x23: {  	s13 =	smulhi.u32 @!p1 $0x147AE15, s12;
	_ =	sdelay $0x1  }
0x24: {  	s13 =	sshrl.u32 @!p1 s13, $0xC  }
0x25: {  	s13 =	smul.u32 @!p1 $0xC8000, s13;
	_ =	sdelay $0x1  }
0x26: {  	s31 =	sadd.s32 $0xFFFFFFFF, s10;
	s14 =	sxor.u32 @!p1 $0xFFFFFFFF, s10;
	s12 =	ssub.s32 @!p1 s12, s13  }
0x27: {  	s15 =	simm.s32 @!p1 $0x80;
	s14 =	sshll.u32 @!p1 s14, $0xD;
	s12 =	sshll.u32 @!p1 s12, $0x4  }
0x28: {  	s13 =	sand.u32 @!p1 $0x2000, s14;
	s14 =	simm.s32 @!p1 $0x40;
	s12 =	sadd.s32 @!p1 s4, s12  }
0x29: {  	[tilespmem:s13], [sflag:$0x1] =	stream.strided.gather @!p1 [hbm4b:s12+s14], $0x2000, s15, s14, $0x38;
	[tilespmem:$0x8080] =	vst v63  }
0x2a: {  	p1 =	sge.u32 s31, s6  }
.Ltmp2:
0x2b: {  	_ = 	snop;
	(pc) =	sbr.rel @p1 .LBB1_5-.Ltmp2, $1  }
0x2c: {  	_ =	sdelay $0x3  }
0x2d: {  	s12 =	simm.s32 $0x1  }
0x2e: {  	_ =	swait.ge [sflag:s5], $0x2000;
	s12 =	simm.s32 @!p0 $0x0  }
0x2f: {  	[sflag:s5] =	ssyncset.done $0x0;
	s13 =	sshll.u32 s12, $0xD  }
0x30: {  	[sflag:s5] =	ssyncadd.s32 $0xFFFFE000;
	s16 =	sor.u32 $0x20, s13  }
0x31: {  	s12 =	smul.u32 $0x8100, s12;
	v3 =	vld [tilespmem:s16+$0x10]  }
0x32: {  	s30 =	sand.u32 $0x1, s10;
	v2 =	vld [tilespmem:s16+$0xFFFFFFF0]  }
0x33: {  	s13 =	smul.u32 $0x8100, s30;
	s12 =	sshrl.u32 s12, $0x2;
	v0 =	vld [tilespmem:s16+$0x0]  }
0x34: {  	v1 =	vld [tilespmem:s16+$0xFFFFFFE0];
	s14 =	sor.u32 $0x4000, s12  }
0x35: {  	s31 =	sshrl.u32 s13, $0x2;
	s13 =	sadd.s32 $0x0, s14  }
0x36: {  	s15 =	simm.s32 $0x4;
	s16 =	sadd.s32 $0x40, s16;
	s12 =	sor.u32 $0x4000, s31;
	[tilespmem:s13+$0x1830 ss:$0x81] =	vst.msk $0xffff, v3  }
.LBB1_3:
0x37: {  	v3 =	vld [tilespmem:s16+$0x10];
	p1 =	sne.s32 s15, $0x1FC;
	[tilespmem:s13+$0x810 ss:$0x81] =	vst.msk $0xffff, v2;
	s17 =	smov.u32 s15;
	s15 =	sadd.s32 $0x4, s15  }
.Ltmp3:
0x38: {  	v2 =	vld [tilespmem:s16+$0xFFFFFFF0];
	[tilespmem:s13+$0x1020 ss:$0x81] =	vst.msk $0xffff, v0;
	(pc) =	sbr.rel @p1 .LBB1_3-.Ltmp3, $4  }
0x39: {  	v0 =	vld [tilespmem:s16+$0x0];
	[tilespmem:s13+$0x0 ss:$0x81] =	vst.msk $0xffff, v1  }
0x3a: {  	s13 =	sshra.s32 s17, $0x2;
	v1 =	vld [tilespmem:s16+$0xFFFFFFE0]  }
0x3b: {  	s13 =	sadd.s32 s13, s14  }
0x3c: {  	s16 =	sadd.s32 $0x40, s16;
	[tilespmem:s13+$0x1830 ss:$0x81] =	vst.msk $0xffff, v3  }
.Ltmp4:
0x3d: {  	_ = 	snop;
	(pc) =	sbr.rel .LBB1_4-.Ltmp4, $1  }
0x3e: {  	_ =	sdelay $0x3  }
.LBB1_6:
0x3f: {  	_ =	sfence.sel $0x180000  }
0x40: {  	s2 =	simm.s32 $0x1;
	[bflag:$0x0] =	sbarrier.arrive $0xFFFF  }
0x41: {  	s31 =	simm.s32 $0x2;
	[sflag:s2] =	ssyncpa.u1 $0x1  }
0x42: {  	[sflag:s31] =	ssyncpa.u1 $0x1  }
0x43: {  	p0 =	sne.s32 s0, $0x0;
	_ =	strace $0x9000004A  }
0x44: {  	s0 =	sadd.s32 @!p0 $0x100000, s1;
	[bflag:$0x2] =	sbarrier.arrive $0xFFFF  }
0x45: {  	[sflag:s0] =	ssyncadd.tile.s32 @!p0 $0x1;
	_ =	shalt  }
.Lfunc_end1:
_tile_overlayer_lowered:
.L_overlay_start_2:
0x46: {  	(tag) =	ssettag $0x2  }
0x47: {  	s0 =	rddreg [dreg:$0x0];
	s2 =	stileid.u32  }
0x48: {  	s1 =	rddreg [dreg:$0x1];
	p0 =	sne.s32 s2, $0x0  }
0x49: {  	s3 =	rddreg [dreg:$0x2];
	[bflag:$0x3] =	sbarrier.arrive $0xFFFF;
	s2 =	simm.s32 @!p0 $0x1C01  }
0x4a: {  	[timem:s3], [sflag:s2] =	dma.local @!p0 [hbm:s0], s1  }
0x4b: {  	s0 =	simm.s32 @!p0 $0x1  }
0x4c: {  	_ =	swait.ge @!p0 [sflag:s0], s1  }
0x4d: {  	s1 =	ssub.s32 @!p0 $0x0, s1;
	[sflag:s0] =	ssyncset.done @!p0 $0x0  }
0x4e: {  	[sflag:s0] =	ssyncadd.s32 @!p0 s1  }
0x4f: {  	[bflag:$0x3] =	sbarrier.arrive $0xFFFF  }
0x50: {  	_ =	shalt  }

</sc_bundles>
